<compile_context>
chip_gen: v7x
topology: tpu7x:2x2x1
jax: 0.10.2.dev20260603
libtpu: 0.0.44.dev20260713+nightly
codegen_flags: <defaults>
</compile_context>

<pallas_src>
import functools

import numpy as np

import jax
import jax.numpy as jnp
from jax import lax
from jax.experimental import pallas as pl
from jax.experimental.pallas import tpu as pltpu
from jax.experimental.pallas import tpu_sc as plsc

N_PRED = 20000
N_GT = 20000
IOU_THRESH = 0.5

ROWS_T = 128
NR = 20096
COLS = 20480
CT = 1024
NCH = COLS // CT
SENT = N_GT
MATCH = 20480
NV = NR // 16
DTOT = float(np.float32(np.float32(float(N_GT)) + np.float32(1e-6)))


def _phase1_body(dx, dy, dx2b, dy2b, da, dsc,
                 gx, gy, gx2b, gy2b, ga, ssc,
                 biou_ref, bidx_ref, brank_ref):
    i = pl.program_id(0)
    dxv = dx[:, :]
    dyv = dy[:, :]
    dx2 = dx2b[:, :]
    dy2 = dy2b[:, :]
    dav = da[:, :]
    dscv = dsc[:, :]
    rowid = i * ROWS_T + lax.broadcasted_iota(jnp.int32, (ROWS_T, 1), 0)
    colid0 = lax.broadcasted_iota(jnp.int32, (ROWS_T, CT), 1)

    rmax = jnp.full((ROWS_T, 1), -1.0, jnp.float32)
    ridx = jnp.zeros((ROWS_T, 1), jnp.int32)
    crank = jnp.zeros((ROWS_T, 1), jnp.int32)

    for c in range(NCH):
        sl = slice(c * CT, (c + 1) * CT)
        x1 = jnp.maximum(dxv, gx[:, sl])
        y1 = jnp.maximum(dyv, gy[:, sl])
        x2 = jnp.minimum(dx2, gx2b[:, sl])
        y2 = jnp.minimum(dy2, gy2b[:, sl])
        inter = jnp.maximum(x2 - x1, 0.0) * jnp.maximum(y2 - y1, 0.0)
        iou = inter / (((dav + ga[:, sl]) - inter) + 1e-6)
        cmax = jnp.max(iou, axis=1, keepdims=True)
        cidx = jnp.min(jnp.where(iou == cmax, colid0, CT),
                       axis=1, keepdims=True) + c * CT
        upd = cmax > rmax
        ridx = jnp.where(upd, cidx, ridx)
        rmax = jnp.where(upd, cmax, rmax)

        sv = ssc[:, sl]
        rmask = (sv > dscv) | ((sv == dscv) & (colid0 < (rowid - c * CT)))
        crank = crank + jnp.sum(rmask.astype(jnp.int32),
                                axis=1, keepdims=True)

    biou_ref[:, :] = rmax
    bidx_ref[:, :] = ridx
    brank_ref[:, :] = crank


_phase1 = pl.pallas_call(
    _phase1_body,
    grid=(NR // ROWS_T,),
    in_specs=(
        [pl.BlockSpec((ROWS_T, 1), lambda i: (i, 0)) for _ in range(6)]
        + [pl.BlockSpec((1, COLS), lambda i: (0, 0)) for _ in range(6)]
    ),
    out_specs=[pl.BlockSpec((ROWS_T, 1), lambda i: (i, 0)) for _ in range(3)],
    out_shape=[
        jax.ShapeDtypeStruct((NR, 1), jnp.float32),
        jax.ShapeDtypeStruct((NR, 1), jnp.int32),
        jax.ShapeDtypeStruct((NR, 1), jnp.int32),
    ],
)


@functools.partial(
    pl.kernel,
    out_type=jax.ShapeDtypeStruct((16,), jnp.float32),
    mesh=plsc.VectorSubcoreMesh(core_axis_name="c", subcore_axis_name="s"),
    compiler_params=pltpu.CompilerParams(needs_layout_passes=False),
    scratch_types=[
        pltpu.VMEM((NR,), jnp.float32),
        pltpu.VMEM((NR,), jnp.int32),
        pltpu.VMEM((NR,), jnp.int32),
        pltpu.VMEM((NR,), jnp.int32),
        pltpu.VMEM((MATCH,), jnp.int32),
        pltpu.VMEM((16,), jnp.float32),
    ],
)
def _phase2(biou_hbm, bidx_hbm, rank_hbm, out_hbm,
            biou_v, bidx_v, rank_v, sortedg_v, matched_v, ap_v):
    @pl.when((lax.axis_index("c") == 0) & (lax.axis_index("s") == 0))
    def _():
        pltpu.sync_copy(biou_hbm, biou_v)
        pltpu.sync_copy(bidx_hbm, bidx_v)
        pltpu.sync_copy(rank_hbm, rank_v)

        zero16 = jnp.zeros((16,), jnp.int32)

        def zinit(c, _):
            matched_v[pl.ds(c * 16, 16)] = zero16
            return 0

        lax.fori_loop(0, MATCH // 16, zinit, 0)

        def loop_a(c, _):
            ds = pl.ds(c * 16, 16)
            gg = jnp.where(biou_v[ds] > IOU_THRESH, bidx_v[ds], SENT)
            plsc.store_scatter(sortedg_v, [rank_v[ds]], gg)
            return 0

        lax.fori_loop(0, NV, loop_a, 0)

        iota16 = lax.broadcasted_iota(jnp.int32, (16,), 0)
        ones_i = jnp.ones((16,), jnp.int32)

        def loop_b(c, carry):
            cum_carry, ap_acc = carry
            gg = sortedg_v[pl.ds(c * 16, 16)]
            m = plsc.load_gather(matched_v, [gg])
            _, lastm = plsc.scan_count(lax.rev(gg, (0,)))
            firsti = lax.rev(lastm.astype(jnp.int32), (0,))
            tpm = (gg < SENT) & (m == 0) & (firsti == 1)
            plsc.store_scatter(matched_v, [gg], ones_i, mask=tpm)
            tpf = jnp.where(tpm, 1.0, 0.0).astype(jnp.float32)
            cum = plsc.cumsum(tpf) + cum_carry
            new_carry = jnp.broadcast_to(jnp.max(cum), (16,))
            p = iota16 + c * 16
            pf = p.astype(jnp.float32)
            cum_prev = cum - tpf
            d = cum / DTOT - cum_prev / DTOT
            prec = cum / ((pf + 1.0) + 1e-6)
            prec_prev = jnp.where(p == 0, 1.0, cum_prev / (pf + 1e-6))
            ap_acc = ap_acc + d * (prec + prec_prev) * 0.5
            return (new_carry, ap_acc)

        _, ap_acc = lax.fori_loop(
            0, NV, loop_b,
            (jnp.zeros((16,), jnp.float32), jnp.zeros((16,), jnp.float32)))
        ap_v[...] = jnp.broadcast_to(jnp.sum(ap_acc), (16,))
        pltpu.sync_copy(ap_v, out_hbm)


@jax.jit
def kernel(pred_boxes, pred_scores, gt_boxes, pred_labels, gt_labels):
    del pred_labels, gt_labels
    prow = NR - N_PRED
    gcol = COLS - N_GT
    dx = jnp.pad(pred_boxes[:, 0], (0, prow))
    dy = jnp.pad(pred_boxes[:, 1], (0, prow))
    dx2 = dx + jnp.pad(pred_boxes[:, 2], (0, prow))
    dy2 = dy + jnp.pad(pred_boxes[:, 3], (0, prow))
    da = jnp.abs((dx2 - dx) * (dy2 - dy))
    dsc = jnp.pad(pred_scores, (0, prow), constant_values=-1.0)
    gx = jnp.pad(gt_boxes[:, 0], (0, gcol), constant_values=5.0)
    gy = jnp.pad(gt_boxes[:, 1], (0, gcol), constant_values=5.0)
    gx2 = gx + jnp.pad(gt_boxes[:, 2], (0, gcol))
    gy2 = gy + jnp.pad(gt_boxes[:, 3], (0, gcol))
    ga = jnp.abs((gx2 - gx) * (gy2 - gy))
    ssc = jnp.pad(pred_scores, (0, COLS - N_PRED),
                  constant_values=-1.0)

    biou, bidx, brank = _phase1(
        dx[:, None], dy[:, None], dx2[:, None], dy2[:, None],
        da[:, None], dsc[:, None],
        gx[None, :], gy[None, :], gx2[None, :], gy2[None, :],
        ga[None, :], ssc[None, :])
    out16 = _phase2(biou.reshape(NR), bidx.reshape(NR), brank.reshape(NR))
    return out16[0]

# --- scband reference (transcript-rebuilt; emitter-appended) ---
"""Pipeline reference for scband-mean-average-precision-69166153335566 (READ-ONLY COPY).

The authoritative reference and input builder live on the scoring server;
editing this copy changes nothing except your own understanding.
"""

import jax, jax.numpy as jnp
import numpy as np

N_PRED = 20000
N_GT = 20000
IOU_THRESH = 0.5


def setup_inputs(seed: int = 0) -> dict:
    key = jax.random.key(seed)
    k1, k2, k3 = jax.random.split(key, 3)
    pred_boxes = jax.random.uniform(k1, (N_PRED, 4), dtype=jnp.float32)
    pred_scores = jax.random.uniform(k2, (N_PRED,), dtype=jnp.float32)
    gt_boxes = jax.random.uniform(k3, (N_GT, 4), dtype=jnp.float32)
    pred_labels = jnp.ones((N_PRED,), dtype=jnp.int32)
    gt_labels = jnp.ones((N_GT,), dtype=jnp.int32)
    return {"pred_boxes": pred_boxes, "pred_scores": pred_scores, "gt_boxes": gt_boxes,
            "pred_labels": pred_labels, "gt_labels": gt_labels}


def _bbox_iou_row(det_box, gt_boxes):
    # det_box: [4] in xywh, gt_boxes: [M, 4] in xywh (matches torch bbox_iou)
    b1x1 = det_box[0]
    b1y1 = det_box[1]
    b1x2 = det_box[0] + det_box[2]
    b1y2 = det_box[1] + det_box[3]
    b2x1 = gt_boxes[:, 0]
    b2y1 = gt_boxes[:, 1]
    b2x2 = gt_boxes[:, 0] + gt_boxes[:, 2]
    b2y2 = gt_boxes[:, 1] + gt_boxes[:, 3]
    x1 = jnp.maximum(b1x1, b2x1)
    y1 = jnp.maximum(b1y1, b2y1)
    x2 = jnp.minimum(b1x2, b2x2)
    y2 = jnp.minimum(b1y2, b2y2)
    inter = jnp.clip(x2 - x1, 0.0, None) * jnp.clip(y2 - y1, 0.0, None)
    a1 = jnp.abs((b1x2 - b1x1) * (b1y2 - b1y1))
    a2 = jnp.abs((b2x2 - b2x1) * (b2y2 - b2y1))
    return inter / (a1 + a2 - inter + 1e-6)


def _mean_average_precision(pred_boxes, pred_scores, gt_boxes):
    # single image, single class (num_classes=1, all labels map to class 0)
    order = jnp.argsort(-pred_scores)  # sort detections by score descending
    det_boxes = jnp.take(pred_boxes, order, axis=0)
    M = gt_boxes.shape[0]
    total_true = jnp.float32(M)

    def step(matched, det_box):
        ious = _bbox_iou_row(det_box, gt_boxes)
        best_iou = jnp.max(ious)
        best_idx = jnp.argmax(ious)
        is_tp = (best_iou > IOU_THRESH) & (matched[best_idx] == 0.0)
        new_val = jnp.where(is_tp, 1.0, matched[best_idx])
        matched = matched.at[best_idx].set(new_val)
        return matched, is_tp.astype(jnp.float32)

    matched0 = jnp.zeros((M,), dtype=jnp.float32)
    _, tp = jax.lax.scan(step, matched0, det_boxes)
    fp = 1.0 - tp
    tp_cum = jnp.cumsum(tp)
    fp_cum = jnp.cumsum(fp)
    recalls = tp_cum / (total_true + 1e-6)
    precisions = tp_cum / (tp_cum + fp_cum + 1e-6)
    precisions = jnp.concatenate([jnp.array([1.0], dtype=jnp.float32), precisions])
    recalls = jnp.concatenate([jnp.array([0.0], dtype=jnp.float32), recalls])
    # trapezoidal integration (torch.trapz)
    ap = jnp.sum((recalls[1:] - recalls[:-1]) * (precisions[1:] + precisions[:-1]) * 0.5)
    # mean over num_classes=1
    return ap


def reference(pred_boxes, pred_scores, gt_boxes, pred_labels, gt_labels):
    # num_classes=1: labels (all ones -> class 0) select every box, so the class
    # filter is the identity; labels are carried for signature fidelity.
    return _mean_average_precision(pred_boxes, pred_scores, gt_boxes)

if __name__ == "__main__":
    import jax
    _d = setup_inputs()
    print(jax.jit(kernel)(*tuple(_d.values())))

</pallas_src>

<mosaic_0001>
#map = affine_map<(d0, d1) -> (0)>
module attributes {stable_mosaic.version = 14 : i64} {
  func.func @_phase2(%arg0: i32, %arg1: i32, %arg2: memref<20096xf32, #tpu.memory_space<hbm>>, %arg3: memref<20096xi32, #tpu.memory_space<hbm>>, %arg4: memref<20096xi32, #tpu.memory_space<hbm>>, %arg5: memref<16xf32, #tpu.memory_space<hbm>>, %arg6: memref<20096xf32, #tpu.memory_space<vmem>>, %arg7: memref<20096xi32, #tpu.memory_space<vmem>>, %arg8: memref<20096xi32, #tpu.memory_space<vmem>>, %arg9: memref<20096xi32, #tpu.memory_space<vmem>>, %arg10: memref<20480xi32, #tpu.memory_space<vmem>>, %arg11: memref<16xf32, #tpu.memory_space<vmem>>) attributes {dimension_semantics = [#tpu.dimension_semantics<core_parallel>, #tpu.dimension_semantics<subcore_parallel>], iteration_bounds = array<i64: 2, 16>, scalar_prefetch = 0 : i64, scratch_operands = 6 : i64, tpu.core_type = #tpu.core_type<sc_vector_subcore>, window_params = [{transform_indices = #map}, {transform_indices = #map}, {transform_indices = #map}, {transform_indices = #map}]} {
    %eq3A = arith.constant 0 : i32
    %eq3A_0 = arith.cmpi eq, %arg0, %eq3A : i32
    %eq3A_1 = arith.constant 0 : i32
    %eq3A_2 = arith.cmpi eq, %arg1, %eq3A_1 : i32
    %and3A = arith.andi %eq3A_0, %eq3A_2 : i1
    %convert_element_type3A = arith.extui %and3A : i1 to i32
    %cond3A = arith.constant 0 : i32
    %cond3A_3 = arith.cmpi ne, %convert_element_type3A, %cond3A : i32
    scf.if %cond3A_3 {
      "tpu.region"() ({
        %run_scoped3A = tpu.sem_alloc : memref<!tpu.dma_semaphore, #tpu.memory_space<semaphore_mem>>
        tpu.enqueue_dma source(%arg2 : memref<20096xf32, #tpu.memory_space<hbm>>) target(%arg6 : memref<20096xf32, #tpu.memory_space<vmem>>) target_semaphore(%run_scoped3A : memref<!tpu.dma_semaphore, #tpu.memory_space<semaphore_mem>>)
        tpu.wait_dma2 semaphore(%run_scoped3A : memref<!tpu.dma_semaphore, #tpu.memory_space<semaphore_mem>>) src(%arg2 : memref<20096xf32, #tpu.memory_space<hbm>>) dst(%arg6 : memref<20096xf32, #tpu.memory_space<vmem>>)
        tpu.yield
      }) : () -> ()
      "tpu.region"() ({
        %run_scoped3A = tpu.sem_alloc : memref<!tpu.dma_semaphore, #tpu.memory_space<semaphore_mem>>
        tpu.enqueue_dma source(%arg3 : memref<20096xi32, #tpu.memory_space<hbm>>) target(%arg7 : memref<20096xi32, #tpu.memory_space<vmem>>) target_semaphore(%run_scoped3A : memref<!tpu.dma_semaphore, #tpu.memory_space<semaphore_mem>>)
        tpu.wait_dma2 semaphore(%run_scoped3A : memref<!tpu.dma_semaphore, #tpu.memory_space<semaphore_mem>>) src(%arg3 : memref<20096xi32, #tpu.memory_space<hbm>>) dst(%arg7 : memref<20096xi32, #tpu.memory_space<vmem>>)
        tpu.yield
      }) : () -> ()
      "tpu.region"() ({
        %run_scoped3A = tpu.sem_alloc : memref<!tpu.dma_semaphore, #tpu.memory_space<semaphore_mem>>
        tpu.enqueue_dma source(%arg4 : memref<20096xi32, #tpu.memory_space<hbm>>) target(%arg8 : memref<20096xi32, #tpu.memory_space<vmem>>) target_semaphore(%run_scoped3A : memref<!tpu.dma_semaphore, #tpu.memory_space<semaphore_mem>>)
        tpu.wait_dma2 semaphore(%run_scoped3A : memref<!tpu.dma_semaphore, #tpu.memory_space<semaphore_mem>>) src(%arg4 : memref<20096xi32, #tpu.memory_space<hbm>>) dst(%arg8 : memref<20096xi32, #tpu.memory_space<vmem>>)
        tpu.yield
      }) : () -> ()
      %broadcast_in_dim3A = arith.constant 0 : i32
      %broadcast_in_dim3A_4 = vector.broadcast %broadcast_in_dim3A : i32 to vector<16xi32>
      %scan3A = arith.constant 0 : i32
      %scan3A_5 = arith.constant 0 : i32
      %scan3A_6 = arith.constant 1280 : i32
      %scan3A_7 = arith.addi %scan3A_5, %scan3A_6 : i32
      %scan3A_8 = arith.constant 1 : i32
      %scan3A_9 = scf.for %scan3A_35 = %scan3A_5 to %scan3A_7 step %scan3A_8 iter_args(%scan3A_36 = %scan3A) -> (i32)  : i32 {
        %mul3A = arith.constant 16 : i32
        %mul3A_37 = arith.muli %scan3A_35, %mul3A : i32
        %swap3A_38 = arith.index_cast %mul3A_37 : i32 to index
        %swap3A_39 = tpu.vector_load %arg10[%swap3A_38] {strides = array<i32>} : memref<20480xi32, #tpu.memory_space<vmem>>, vector<16xi32>,
        tpu.vector_store %arg10[%swap3A_38], %broadcast_in_dim3A_4 {strides = array<i32>} : memref<20480xi32, #tpu.memory_space<vmem>>, vector<16xi32>,
        %scan3A_40 = arith.constant 0 : i32
        scf.yield %scan3A_40 : i32
      }
      %scan3A_10 = arith.constant 1280 : i32
      %scan3A_11 = arith.constant 0 : i32
      %scan3A_12 = arith.constant 0 : i32
      %scan3A_13 = arith.constant 1256 : i32
      %scan3A_14 = arith.addi %scan3A_12, %scan3A_13 : i32
      %scan3A_15 = arith.constant 1 : i32
      %scan3A_16 = scf.for %scan3A_35 = %scan3A_12 to %scan3A_14 step %scan3A_15 iter_args(%scan3A_36 = %scan3A_11) -> (i32)  : i32 {
        %mul3A = arith.constant 16 : i32
        %mul3A_37 = arith.muli %scan3A_35, %mul3A : i32
        %get3A = arith.index_cast %mul3A_37 : i32 to index
        %get3A_38 = tpu.vector_load %arg6[%get3A] {strides = array<i32>} : memref<20096xf32, #tpu.memory_space<vmem>>, vector<16xf32>,
        %gt3A = arith.constant 5.000000e-01 : f32
        %gt3A_39 = vector.broadcast %gt3A : f32 to vector<16xf32>
        %gt3A_40 = arith.cmpf ogt, %get3A_38, %gt3A_39 : vector<16xf32>
        %get3A_41 = arith.index_cast %mul3A_37 : i32 to index
        %get3A_42 = tpu.vector_load %arg7[%get3A_41] {strides = array<i32>} : memref<20096xi32, #tpu.memory_space<vmem>>, vector<16xi32>,
        %jit3A = arith.constant 20000 : i32
        %broadcast_in_dim3A_43 = vector.broadcast %jit3A : i32 to vector<16xi32>
        %select_n3A = arith.select %gt3A_40, %get3A_42, %broadcast_in_dim3A_43 : vector<16xi1>, vector<16xi32>
        %get3A_44 = arith.index_cast %mul3A_37 : i32 to index
        %get3A_45 = tpu.vector_load %arg8[%get3A_44] {strides = array<i32>} : memref<20096xi32, #tpu.memory_space<vmem>>, vector<16xi32>,
        tpu.vector_store_idx %arg9[%get3A_45], %select_n3A : memref<20096xi32, #tpu.memory_space<vmem>>[vector<16xi32>], vector<16xi32>,
        %scan3A_46 = arith.constant 0 : i32
        scf.yield %scan3A_46 : i32
      }
      %scan3A_17 = arith.constant 1256 : i32
      %iota3A = tpu.iota {dimensions = array<i32: 0>} : vector<16xi32>
      %broadcast_in_dim3A_18 = arith.constant 1 : i32
      %broadcast_in_dim3A_19 = vector.broadcast %broadcast_in_dim3A_18 : i32 to vector<16xi32>
      %broadcast_in_dim3A_20 = arith.constant 0.000000e+00 : f32
      %broadcast_in_dim3A_21 = vector.broadcast %broadcast_in_dim3A_20 : f32 to vector<16xf32>
      %broadcast_in_dim3A_22 = arith.constant 0.000000e+00 : f32
      %broadcast_in_dim3A_23 = vector.broadcast %broadcast_in_dim3A_22 : f32 to vector<16xf32>
      %scan3A_24 = arith.constant 0 : i32
      %scan3A_25 = arith.constant 1256 : i32
      %scan3A_26 = arith.addi %scan3A_24, %scan3A_25 : i32
      %scan3A_27 = arith.constant 1 : i32
      %scan3A_28:2 = scf.for %scan3A_35 = %scan3A_24 to %scan3A_26 step %scan3A_27 iter_args(%scan3A_36 = %broadcast_in_dim3A_21, %scan3A_37 = %broadcast_in_dim3A_23) -> (vector<16xf32>, vector<16xf32>)  : i32 {
        %mul3A = arith.constant 16 : i32
        %mul3A_38 = arith.muli %scan3A_35, %mul3A : i32
        %get3A = arith.index_cast %mul3A_38 : i32 to index
        %get3A_39 = tpu.vector_load %arg9[%get3A] {strides = array<i32>} : memref<20096xi32, #tpu.memory_space<vmem>>, vector<16xi32>,
        %gather3A = tpu.vector_load_idx %arg10[%get3A_39] : memref<20480xi32, #tpu.memory_space<vmem>>[vector<16xi32>], vector<16xi32>,
        %rev3A = arith.constant 15 : i32
        %rev3A_40 = vector.broadcast %rev3A : i32 to vector<16xi32>
        %rev3A_41 = tpu.iota {dimensions = array<i32: 0>} : vector<16xi32>
        %rev3A_42 = arith.subi %rev3A_40, %rev3A_41 : vector<16xi32>
        %rev3A_43 = tpu.dynamic_gather %get3A_39[%rev3A_42] in [0] : vector<16xi32>, vector<16xi32> -> vector<16xi32>
        %broadcast_in_dim3A_44 = arith.constant true
        %broadcast_in_dim3A_45 = vector.broadcast %broadcast_in_dim3A_44 : i1 to vector<16xi1>
        %unique3A, %unique3A_46 = tpu.scan_count mask(%broadcast_in_dim3A_45 : vector<16xi1>) value(%rev3A_43 : vector<16xi32>) : vector<16xi1>, vector<16xi32>
        %convert_element_type3A_47 = arith.extui %unique3A : vector<16xi1> to vector<16xi32>
        %rev3A_48 = arith.constant 15 : i32
        %rev3A_49 = vector.broadcast %rev3A_48 : i32 to vector<16xi32>
        %rev3A_50 = tpu.iota {dimensions = array<i32: 0>} : vector<16xi32>
        %rev3A_51 = arith.subi %rev3A_49, %rev3A_50 : vector<16xi32>
        %rev3A_52 = tpu.dynamic_gather %convert_element_type3A_47[%rev3A_51] in [0] : vector<16xi32>, vector<16xi32> -> vector<16xi32>
        %lt3A = arith.constant 20000 : i32
        %lt3A_53 = vector.broadcast %lt3A : i32 to vector<16xi32>
        %lt3A_54 = arith.cmpi slt, %get3A_39, %lt3A_53 : vector<16xi32>
        %eq3A_55 = arith.constant 0 : i32
        %eq3A_56 = vector.broadcast %eq3A_55 : i32 to vector<16xi32>
        %eq3A_57 = arith.cmpi eq, %gather3A, %eq3A_56 : vector<16xi32>
        %and3A_58 = arith.andi %lt3A_54, %eq3A_57 : vector<16xi1>
        %eq3A_59 = arith.constant 1 : i32
        %eq3A_60 = vector.broadcast %eq3A_59 : i32 to vector<16xi32>
        %eq3A_61 = arith.cmpi eq, %rev3A_52, %eq3A_60 : vector<16xi32>
        %and3A_62 = arith.andi %and3A_58, %eq3A_61 : vector<16xi1>
        tpu.vector_store_idx %arg10[%get3A_39], %broadcast_in_dim3A_19 masked %and3A_62 : memref<20480xi32, #tpu.memory_space<vmem>>[vector<16xi32>], vector<16xi32>, vector<16xi1>
        %jit3A = arith.constant 1.000000e+00 : f32
        %jit3A_63 = arith.constant 0.000000e+00 : f32
        %broadcast_in_dim3A_64 = vector.broadcast %jit3A : f32 to vector<16xf32>
        %broadcast_in_dim3A_65 = vector.broadcast %jit3A_63 : f32 to vector<16xf32>
        %select_n3A = arith.select %and3A_62, %broadcast_in_dim3A_64, %broadcast_in_dim3A_65 : vector<16xi1>, vector<16xf32>
        %broadcast_in_dim3A_66 = arith.constant true
        %broadcast_in_dim3A_67 = vector.broadcast %broadcast_in_dim3A_66 : i1 to vector<16xi1>
        %masked_cumsum3A = tpu.scan <sum>, %select_n3A masked %broadcast_in_dim3A_67 : vector<16xf32>, vector<16xi1> -> vector<16xf32>
        %add3A = arith.addf %masked_cumsum3A, %scan3A_36 : vector<16xf32>
        %reduce_max3A = arith.constant true
        %reduce_max3A_68 = vector.broadcast %reduce_max3A : i1 to vector<16xi1>
        %reduce_max3A_69 = tpu.scan <max>, %add3A masked %reduce_max3A_68 : vector<16xf32>, vector<16xi1> -> vector<16xf32>
        %reduce_max3A_70 = vector.extract %reduce_max3A_69[15] : f32 from vector<16xf32>
        %broadcast_in_dim3A_71 = vector.broadcast %reduce_max3A_70 : f32 to vector<16xf32>
        %mul3A_72 = arith.constant 16 : i32
        %mul3A_73 = arith.muli %scan3A_35, %mul3A_72 : i32
        %add3A_74 = vector.broadcast %mul3A_73 : i32 to vector<16xi32>
        %add3A_75 = arith.addi %iota3A, %add3A_74 : vector<16xi32>
        %convert_element_type3A_76 = arith.sitofp %add3A_75 : vector<16xi32> to vector<16xf32>
        %sub3A = arith.subf %add3A, %select_n3A : vector<16xf32>
        %div3A = arith.constant 2.000000e+04 : f32
        %div3A_77 = vector.broadcast %div3A : f32 to vector<16xf32>
        %div3A_78 = arith.divf %add3A, %div3A_77 : vector<16xf32>
        %div3A_79 = arith.constant 2.000000e+04 : f32
        %div3A_80 = vector.broadcast %div3A_79 : f32 to vector<16xf32>
        %div3A_81 = arith.divf %sub3A, %div3A_80 : vector<16xf32>
        %sub3A_82 = arith.subf %div3A_78, %div3A_81 : vector<16xf32>
        %add3A_83 = arith.constant 1.000000e+00 : f32
        %add3A_84 = vector.broadcast %add3A_83 : f32 to vector<16xf32>
        %add3A_85 = arith.addf %convert_element_type3A_76, %add3A_84 : vector<16xf32>
        %add3A_86 = arith.constant 9.99999997E-7 : f32
        %add3A_87 = vector.broadcast %add3A_86 : f32 to vector<16xf32>
        %add3A_88 = arith.addf %add3A_85, %add3A_87 : vector<16xf32>
        %div3A_89 = arith.divf %add3A, %add3A_88 : vector<16xf32>
        %eq3A_90 = arith.constant 0 : i32
        %eq3A_91 = vector.broadcast %eq3A_90 : i32 to vector<16xi32>
        %eq3A_92 = arith.cmpi eq, %add3A_75, %eq3A_91 : vector<16xi32>
        %add3A_93 = arith.constant 9.99999997E-7 : f32
        %add3A_94 = vector.broadcast %add3A_93 : f32 to vector<16xf32>
        %add3A_95 = arith.addf %convert_element_type3A_76, %add3A_94 : vector<16xf32>
        %div3A_96 = arith.divf %sub3A, %add3A_95 : vector<16xf32>
        %jit3A_97 = arith.constant 1.000000e+00 : f32
        %broadcast_in_dim3A_98 = vector.broadcast %jit3A_97 : f32 to vector<16xf32>
        %select_n3A_99 = arith.select %eq3A_92, %broadcast_in_dim3A_98, %div3A_96 : vector<16xi1>, vector<16xf32>
        %add3A_100 = arith.addf %div3A_89, %select_n3A_99 : vector<16xf32>
        %mul3A_101 = arith.mulf %sub3A_82, %add3A_100 : vector<16xf32>
        %mul3A_102 = arith.constant 5.000000e-01 : f32
        %mul3A_103 = vector.broadcast %mul3A_102 : f32 to vector<16xf32>
        %mul3A_104 = arith.mulf %mul3A_101, %mul3A_103 : vector<16xf32>
        %add3A_105 = arith.addf %scan3A_37, %mul3A_104 : vector<16xf32>
        scf.yield %broadcast_in_dim3A_71, %add3A_105 : vector<16xf32>, vector<16xf32>
      }
      %scan3A_29 = arith.constant 1256 : i32
      %reduce_sum3A = arith.constant true
      %reduce_sum3A_30 = vector.broadcast %reduce_sum3A : i1 to vector<16xi1>
      %reduce_sum3A_31 = tpu.scan <sum>, %scan3A_28#1 masked %reduce_sum3A_30 : vector<16xf32>, vector<16xi1> -> vector<16xf32>
      %reduce_sum3A_32 = vector.extract %reduce_sum3A_31[15] : f32 from vector<16xf32>
      %broadcast_in_dim3A_33 = vector.broadcast %reduce_sum3A_32 : f32 to vector<16xf32>
      %swap3A = arith.constant 0 : index
      %swap3A_34 = tpu.vector_load %arg11[%swap3A] {strides = array<i32>} : memref<16xf32, #tpu.memory_space<vmem>>, vector<16xf32>,
      tpu.vector_store %arg11[%swap3A], %broadcast_in_dim3A_33 {strides = array<i32>} : memref<16xf32, #tpu.memory_space<vmem>>, vector<16xf32>,
      "tpu.region"() ({
        %run_scoped3A = tpu.sem_alloc : memref<!tpu.dma_semaphore, #tpu.memory_space<semaphore_mem>>
        tpu.enqueue_dma source(%arg11 : memref<16xf32, #tpu.memory_space<vmem>>) target(%arg5 : memref<16xf32, #tpu.memory_space<hbm>>) target_semaphore(%run_scoped3A : memref<!tpu.dma_semaphore, #tpu.memory_space<semaphore_mem>>)
        tpu.wait_dma2 semaphore(%run_scoped3A : memref<!tpu.dma_semaphore, #tpu.memory_space<semaphore_mem>>) src(%arg11 : memref<16xf32, #tpu.memory_space<vmem>>) dst(%arg5 : memref<16xf32, #tpu.memory_space<hbm>>)
        tpu.yield
      }) : () -> ()
    } else {
    }
    return
  }
}

module attributes {stable_mosaic.version = 14 : i64} {
  func.func @_phase1_body(%arg0: i32, %arg1: memref<128x1xf32, #tpu.memory_space<vmem>>, %arg2: memref<128x1xf32, #tpu.memory_space<vmem>>, %arg3: memref<128x1xf32, #tpu.memory_space<vmem>>, %arg4: memref<128x1xf32, #tpu.memory_space<vmem>>, %arg5: memref<128x1xf32, #tpu.memory_space<vmem>>, %arg6: memref<128x1xf32, #tpu.memory_space<vmem>>, %arg7: memref<1x20480xf32, #tpu.memory_space<vmem>>, %arg8: memref<1x20480xf32, #tpu.memory_space<vmem>>, %arg9: memref<1x20480xf32, #tpu.memory_space<vmem>>, %arg10: memref<1x20480xf32, #tpu.memory_space<vmem>>, %arg11: memref<1x20480xf32, #tpu.memory_space<vmem>>, %arg12: memref<1x20480xf32, #tpu.memory_space<vmem>>, %arg13: memref<128x1xf32, #tpu.memory_space<vmem>>, %arg14: memref<128x1xi32, #tpu.memory_space<vmem>>, %arg15: memref<128x1xi32, #tpu.memory_space<vmem>>) attributes {dimension_semantics = [#tpu.dimension_semantics<arbitrary>], iteration_bounds = array<i64: 157>, scalar_prefetch = 0 : i64, scratch_operands = 0 : i64, tpu.core_type = #tpu.core_type<tc>, window_params = [{transform_indices = @transform_0, window_bounds = array<i64: 128, 1>}, {transform_indices = @transform_1, window_bounds = array<i64: 128, 1>}, {transform_indices = @transform_2, window_bounds = array<i64: 128, 1>}, {transform_indices = @transform_3, window_bounds = array<i64: 128, 1>}, {transform_indices = @transform_4, window_bounds = array<i64: 128, 1>}, {transform_indices = @transform_5, window_bounds = array<i64: 128, 1>}, {pipeline_mode = #tpu.pipeline_mode<synchronous>, transform_indices = @transform_6, window_bounds = array<i64: 1, 20480>}, {pipeline_mode = #tpu.pipeline_mode<synchronous>, transform_indices = @transform_7, window_bounds = array<i64: 1, 20480>}, {pipeline_mode = #tpu.pipeline_mode<synchronous>, transform_indices = @transform_8, window_bounds = array<i64: 1, 20480>}, {pipeline_mode = #tpu.pipeline_mode<synchronous>, transform_indices = @transform_9, window_bounds = array<i64: 1, 20480>}, {pipeline_mode = #tpu.pipeline_mode<synchronous>, transform_indices = @transform_10, window_bounds = array<i64: 1, 20480>}, {pipeline_mode = #tpu.pipeline_mode<synchronous>, transform_indices = @transform_11, window_bounds = array<i64: 1, 20480>}, {transform_indices = @transform_12, window_bounds = array<i64: 128, 1>}, {transform_indices = @transform_13, window_bounds = array<i64: 128, 1>}, {transform_indices = @transform_14, window_bounds = array<i64: 128, 1>}]} {
    %get3A = arith.constant 0 : index
    %get3A_0 = arith.constant 0 : index
    %get3A_1 = vector.load %arg1[%get3A, %get3A_0] : memref<128x1xf32, #tpu.memory_space<vmem>>, vector<128x1xf32>
    %get3A_2 = arith.constant 0 : index
    %get3A_3 = arith.constant 0 : index
    %get3A_4 = vector.load %arg2[%get3A_2, %get3A_3] : memref<128x1xf32, #tpu.memory_space<vmem>>, vector<128x1xf32>
    %get3A_5 = arith.constant 0 : index
    %get3A_6 = arith.constant 0 : index
    %get3A_7 = vector.load %arg3[%get3A_5, %get3A_6] : memref<128x1xf32, #tpu.memory_space<vmem>>, vector<128x1xf32>
    %get3A_8 = arith.constant 0 : index
    %get3A_9 = arith.constant 0 : index
    %get3A_10 = vector.load %arg4[%get3A_8, %get3A_9] : memref<128x1xf32, #tpu.memory_space<vmem>>, vector<128x1xf32>
    %get3A_11 = arith.constant 0 : index
    %get3A_12 = arith.constant 0 : index
    %get3A_13 = vector.load %arg5[%get3A_11, %get3A_12] : memref<128x1xf32, #tpu.memory_space<vmem>>, vector<128x1xf32>
    %get3A_14 = arith.constant 0 : index
    %get3A_15 = arith.constant 0 : index
    %get3A_16 = vector.load %arg6[%get3A_14, %get3A_15] : memref<128x1xf32, #tpu.memory_space<vmem>>, vector<128x1xf32>
    %mul3A = arith.constant 128 : i32
    %mul3A_17 = arith.muli %arg0, %mul3A : i32
    %iota3A = tpu.iota {dimensions = array<i32: 0>} : vector<128x1xi32>
    %add3A = vector.broadcast %mul3A_17 : i32 to vector<128x1xi32>
    %add3A_18 = arith.addi %add3A, %iota3A : vector<128x1xi32>
    %iota3A_19 = tpu.iota {dimensions = array<i32: 1>} : vector<128x1024xi32>
    %broadcast_in_dim3A = arith.constant -1.000000e+00 : f32
    %broadcast_in_dim3A_20 = vector.broadcast %broadcast_in_dim3A : f32 to vector<128x1xf32>
    %broadcast_in_dim3A_21 = arith.constant 0 : i32
    %broadcast_in_dim3A_22 = vector.broadcast %broadcast_in_dim3A_21 : i32 to vector<128x1xi32>
    %broadcast_in_dim3A_23 = arith.constant 0 : i32
    %broadcast_in_dim3A_24 = vector.broadcast %broadcast_in_dim3A_23 : i32 to vector<128x1xi32>
    %get3A_25 = arith.constant 0 : index
    %get3A_26 = arith.constant 0 : index
    %get3A_27 = vector.load %arg7[%get3A_25, %get3A_26] : memref<1x20480xf32, #tpu.memory_space<vmem>>, vector<1x1024xf32>
    %max3A = vector.broadcast %get3A_1 : vector<128x1xf32> to vector<128x1024xf32>
    %max3A_28 = vector.broadcast %get3A_27 : vector<1x1024xf32> to vector<128x1024xf32>
    %max3A_29 = arith.maximumf %max3A, %max3A_28 : vector<128x1024xf32>
    %get3A_30 = arith.constant 0 : index
    %get3A_31 = arith.constant 0 : index
    %get3A_32 = vector.load %arg8[%get3A_30, %get3A_31] : memref<1x20480xf32, #tpu.memory_space<vmem>>, vector<1x1024xf32>
    %max3A_33 = vector.broadcast %get3A_4 : vector<128x1xf32> to vector<128x1024xf32>
    %max3A_34 = vector.broadcast %get3A_32 : vector<1x1024xf32> to vector<128x1024xf32>
    %max3A_35 = arith.maximumf %max3A_33, %max3A_34 : vector<128x1024xf32>
    %get3A_36 = arith.constant 0 : index
    %get3A_37 = arith.constant 0 : index
    %get3A_38 = vector.load %arg9[%get3A_36, %get3A_37] : memref<1x20480xf32, #tpu.memory_space<vmem>>, vector<1x1024xf32>
    %min3A = vector.broadcast %get3A_7 : vector<128x1xf32> to vector<128x1024xf32>
    %min3A_39 = vector.broadcast %get3A_38 : vector<1x1024xf32> to vector<128x1024xf32>
    %min3A_40 = arith.minimumf %min3A, %min3A_39 : vector<128x1024xf32>
    %get3A_41 = arith.constant 0 : index
    %get3A_42 = arith.constant 0 : index
    %get3A_43 = vector.load %arg10[%get3A_41, %get3A_42] : memref<1x20480xf32, #tpu.memory_space<vmem>>, vector<1x1024xf32>
    %min3A_44 = vector.broadcast %get3A_10 : vector<128x1xf32> to vector<128x1024xf32>
    %min3A_45 = vector.broadcast %get3A_43 : vector<1x1024xf32> to vector<128x1024xf32>
    %min3A_46 = arith.minimumf %min3A_44, %min3A_45 : vector<128x1024xf32>
    %sub3A = arith.subf %min3A_40, %max3A_29 : vector<128x1024xf32>
    %max3A_47 = arith.constant 0.000000e+00 : f32
    %max3A_48 = vector.broadcast %max3A_47 : f32 to vector<128x1024xf32>
    %max3A_49 = arith.maximumf %sub3A, %max3A_48 : vector<128x1024xf32>
    %sub3A_50 = arith.subf %min3A_46, %max3A_35 : vector<128x1024xf32>
    %max3A_51 = arith.constant 0.000000e+00 : f32
    %max3A_52 = vector.broadcast %max3A_51 : f32 to vector<128x1024xf32>
    %max3A_53 = arith.maximumf %sub3A_50, %max3A_52 : vector<128x1024xf32>
    %mul3A_54 = arith.mulf %max3A_49, %max3A_53 : vector<128x1024xf32>
    %get3A_55 = arith.constant 0 : index
    %get3A_56 = arith.constant 0 : index
    %get3A_57 = vector.load %arg11[%get3A_55, %get3A_56] : memref<1x20480xf32, #tpu.memory_space<vmem>>, vector<1x1024xf32>
    %add3A_58 = vector.broadcast %get3A_13 : vector<128x1xf32> to vector<128x1024xf32>
    %add3A_59 = vector.broadcast %get3A_57 : vector<1x1024xf32> to vector<128x1024xf32>
    %add3A_60 = arith.addf %add3A_58, %add3A_59 : vector<128x1024xf32>
    %sub3A_61 = arith.subf %add3A_60, %mul3A_54 : vector<128x1024xf32>
    %add3A_62 = arith.constant 9.99999997E-7 : f32
    %add3A_63 = vector.broadcast %add3A_62 : f32 to vector<128x1024xf32>
    %add3A_64 = arith.addf %sub3A_61, %add3A_63 : vector<128x1024xf32>
    %div3A = arith.divf %mul3A_54, %add3A_64 : vector<128x1024xf32>
    %reduce_max3A = arith.constant dense<0xFF800000> : vector<128xf32>
    %reduce_max3A_65 = vector.multi_reduction <maximumf>, %div3A, %reduce_max3A [1] : vector<128x1024xf32> to vector<128xf32>
    %broadcast_in_dim3A_66 = vector.shape_cast %reduce_max3A_65 : vector<128xf32> to vector<128x1xf32>
    %eq3A = vector.broadcast %broadcast_in_dim3A_66 : vector<128x1xf32> to vector<128x1024xf32>
    %eq3A_67 = arith.cmpf oeq, %div3A, %eq3A : vector<128x1024xf32>
    %jit3A = arith.constant 1024 : i32
    %broadcast_in_dim3A_68 = vector.broadcast %jit3A : i32 to vector<128x1024xi32>
    %select_n3A = arith.select %eq3A_67, %iota3A_19, %broadcast_in_dim3A_68 : vector<128x1024xi1>, vector<128x1024xi32>
    %reduce_min3A = arith.constant dense<2147483647> : vector<128xi32>
    %reduce_min3A_69 = vector.multi_reduction <minsi>, %select_n3A, %reduce_min3A [1] : vector<128x1024xi32> to vector<128xi32>
    %broadcast_in_dim3A_70 = vector.shape_cast %reduce_min3A_69 : vector<128xi32> to vector<128x1xi32>
    %add3A_71 = arith.constant 0 : i32
    %add3A_72 = vector.broadcast %add3A_71 : i32 to vector<128x1xi32>
    %add3A_73 = arith.addi %broadcast_in_dim3A_70, %add3A_72 : vector<128x1xi32>
    %gt3A = arith.cmpf ogt, %broadcast_in_dim3A_66, %broadcast_in_dim3A_20 : vector<128x1xf32>
    %select_n3A_74 = arith.select %gt3A, %add3A_73, %broadcast_in_dim3A_22 : vector<128x1xi1>, vector<128x1xi32>
    %select_n3A_75 = arith.select %gt3A, %broadcast_in_dim3A_66, %broadcast_in_dim3A_20 : vector<128x1xi1>, vector<128x1xf32>
    %get3A_76 = arith.constant 0 : index
    %get3A_77 = arith.constant 0 : index
    %get3A_78 = vector.load %arg12[%get3A_76, %get3A_77] : memref<1x20480xf32, #tpu.memory_space<vmem>>, vector<1x1024xf32>
    %gt3A_79 = vector.broadcast %get3A_78 : vector<1x1024xf32> to vector<128x1024xf32>
    %gt3A_80 = vector.broadcast %get3A_16 : vector<128x1xf32> to vector<128x1024xf32>
    %gt3A_81 = arith.cmpf ogt, %gt3A_79, %gt3A_80 : vector<128x1024xf32>
    %eq3A_82 = vector.broadcast %get3A_78 : vector<1x1024xf32> to vector<128x1024xf32>
    %eq3A_83 = vector.broadcast %get3A_16 : vector<128x1xf32> to vector<128x1024xf32>
    %eq3A_84 = arith.cmpf oeq, %eq3A_82, %eq3A_83 : vector<128x1024xf32>
    %sub3A_85 = arith.constant 0 : i32
    %sub3A_86 = vector.broadcast %sub3A_85 : i32 to vector<128x1xi32>
    %sub3A_87 = arith.subi %add3A_18, %sub3A_86 : vector<128x1xi32>
    %lt3A = vector.broadcast %sub3A_87 : vector<128x1xi32> to vector<128x1024xi32>
    %lt3A_88 = arith.cmpi slt, %iota3A_19, %lt3A : vector<128x1024xi32>
    %and3A = arith.andi %eq3A_84, %lt3A_88 : vector<128x1024xi1>
    %or3A = arith.ori %gt3A_81, %and3A : vector<128x1024xi1>
    %convert_element_type3A = arith.extui %or3A : vector<128x1024xi1> to vector<128x1024xi32>
    %reduce_sum3A = arith.constant dense<0> : vector<128xi32>
    %reduce_sum3A_89 = vector.multi_reduction <add>, %convert_element_type3A, %reduce_sum3A [1] : vector<128x1024xi32> to vector<128xi32>
    %broadcast_in_dim3A_90 = vector.shape_cast %reduce_sum3A_89 : vector<128xi32> to vector<128x1xi32>
    %add3A_91 = arith.addi %broadcast_in_dim3A_24, %broadcast_in_dim3A_90 : vector<128x1xi32>
    %get3A_92 = arith.constant 0 : index
    %get3A_93 = arith.constant 1024 : index
    %get3A_94 = vector.load %arg7[%get3A_92, %get3A_93] : memref<1x20480xf32, #tpu.memory_space<vmem>>, vector<1x1024xf32>
    %max3A_95 = vector.broadcast %get3A_1 : vector<128x1xf32> to vector<128x1024xf32>
    %max3A_96 = vector.broadcast %get3A_94 : vector<1x1024xf32> to vector<128x1024xf32>
    %max3A_97 = arith.maximumf %max3A_95, %max3A_96 : vector<128x1024xf32>
    %get3A_98 = arith.constant 0 : index
    %get3A_99 = arith.constant 1024 : index
    %get3A_100 = vector.load %arg8[%get3A_98, %get3A_99] : memref<1x20480xf32, #tpu.memory_space<vmem>>, vector<1x1024xf32>
    %max3A_101 = vector.broadcast %get3A_4 : vector<128x1xf32> to vector<128x1024xf32>
    %max3A_102 = vector.broadcast %get3A_100 : vector<1x1024xf32> to vector<128x1024xf32>
    %max3A_103 = arith.maximumf %max3A_101, %max3A_102 : vector<128x1024xf32>
    %get3A_104 = arith.constant 0 : index
    %get3A_105 = arith.constant 1024 : index
    %get3A_106 = vector.load %arg9[%get3A_104, %get3A_105] : memref<1x20480xf32, #tpu.memory_space<vmem>>, vector<1x1024xf32>
    %min3A_107 = vector.broadcast %get3A_7 : vector<128x1xf32> to vector<128x1024xf32>
    %min3A_108 = vector.broadcast %get3A_106 : vector<1x1024xf32> to vector<128x1024xf32>
    %min3A_109 = arith.minimumf %min3A_107, %min3A_108 : vector<128x1024xf32>
    %get3A_110 = arith.constant 0 : index
    %get3A_111 = arith.constant 1024 : index
    %get3A_112 = vector.load %arg10[%get3A_110, %get3A_111] : memref<1x20480xf32, #tpu.memory_space<vmem>>, vector<1x1024xf32>
    %min3A_113 = vector.broadcast %get3A_10 : vector<128x1xf32> to vector<128x1024xf32>
    %min3A_114 = vector.broadcast %get3A_112 : vector<1x1024xf32> to vector<128x1024xf32>
    %min3A_115 = arith.minimumf %min3A_113, %min3A_114 : vector<128x1024xf32>
    %sub3A_116 = arith.subf %min3A_109, %max3A_97 : vector<128x1024xf32>
    %max3A_117 = arith.constant 0.000000e+00 : f32
    %max3A_118 = vector.broadcast %max3A_117 : f32 to vector<128x1024xf32>
    %max3A_119 = arith.maximumf %sub3A_116, %max3A_118 : vector<128x1024xf32>
    %sub3A_120 = arith.subf %min3A_115, %max3A_103 : vector<128x1024xf32>
    %max3A_121 = arith.constant 0.000000e+00 : f32
    %max3A_122 = vector.broadcast %max3A_121 : f32 to vector<128x1024xf32>
    %max3A_123 = arith.maximumf %sub3A_120, %max3A_122 : vector<128x1024xf32>
    %mul3A_124 = arith.mulf %max3A_119, %max3A_123 : vector<128x1024xf32>
    %get3A_125 = arith.constant 0 : index
    %get3A_126 = arith.constant 1024 : index
    %get3A_127 = vector.load %arg11[%get3A_125, %get3A_126] : memref<1x20480xf32, #tpu.memory_space<vmem>>, vector<1x1024xf32>
    %add3A_128 = vector.broadcast %get3A_13 : vector<128x1xf32> to vector<128x1024xf32>
    %add3A_129 = vector.broadcast %get3A_127 : vector<1x1024xf32> to vector<128x1024xf32>
    %add3A_130 = arith.addf %add3A_128, %add3A_129 : vector<128x1024xf32>
    %sub3A_131 = arith.subf %add3A_130, %mul3A_124 : vector<128x1024xf32>
    %add3A_132 = arith.constant 9.99999997E-7 : f32
    %add3A_133 = vector.broadcast %add3A_132 : f32 to vector<128x1024xf32>
    %add3A_134 = arith.addf %sub3A_131, %add3A_133 : vector<128x1024xf32>
    %div3A_135 = arith.divf %mul3A_124, %add3A_134 : vector<128x1024xf32>
    %reduce_max3A_136 = arith.constant dense<0xFF800000> : vector<128xf32>
    %reduce_max3A_137 = vector.multi_reduction <maximumf>, %div3A_135, %reduce_max3A_136 [1] : vector<128x1024xf32> to vector<128xf32>
    %broadcast_in_dim3A_138 = vector.shape_cast %reduce_max3A_137 : vector<128xf32> to vector<128x1xf32>
    %eq3A_139 = vector.broadcast %broadcast_in_dim3A_138 : vector<128x1xf32> to vector<128x1024xf32>
    %eq3A_140 = arith.cmpf oeq, %div3A_135, %eq3A_139 : vector<128x1024xf32>
    %jit3A_141 = arith.constant 1024 : i32
    %broadcast_in_dim3A_142 = vector.broadcast %jit3A_141 : i32 to vector<128x1024xi32>
    %select_n3A_143 = arith.select %eq3A_140, %iota3A_19, %broadcast_in_dim3A_142 : vector<128x1024xi1>, vector<128x1024xi32>
    %reduce_min3A_144 = arith.constant dense<2147483647> : vector<128xi32>
    %reduce_min3A_145 = vector.multi_reduction <minsi>, %select_n3A_143, %reduce_min3A_144 [1] : vector<128x1024xi32> to vector<128xi32>
    %broadcast_in_dim3A_146 = vector.shape_cast %reduce_min3A_145 : vector<128xi32> to vector<128x1xi32>
    %add3A_147 = arith.constant 1024 : i32
    %add3A_148 = vector.broadcast %add3A_147 : i32 to vector<128x1xi32>
    %add3A_149 = arith.addi %broadcast_in_dim3A_146, %add3A_148 : vector<128x1xi32>
    %gt3A_150 = arith.cmpf ogt, %broadcast_in_dim3A_138, %select_n3A_75 : vector<128x1xf32>
    %select_n3A_151 = arith.select %gt3A_150, %add3A_149, %select_n3A_74 : vector<128x1xi1>, vector<128x1xi32>
    %select_n3A_152 = arith.select %gt3A_150, %broadcast_in_dim3A_138, %select_n3A_75 : vector<128x1xi1>, vector<128x1xf32>
    %get3A_153 = arith.constant 0 : index
    %get3A_154 = arith.constant 1024 : index
    %get3A_155 = vector.load %arg12[%get3A_153, %get3A_154] : memref<1x20480xf32, #tpu.memory_space<vmem>>, vector<1x1024xf32>
    %gt3A_156 = vector.broadcast %get3A_155 : vector<1x1024xf32> to vector<128x1024xf32>
    %gt3A_157 = vector.broadcast %get3A_16 : vector<128x1xf32> to vector<128x1024xf32>
    %gt3A_158 = arith.cmpf ogt, %gt3A_156, %gt3A_157 : vector<128x1024xf32>
    %eq3A_159 = vector.broadcast %get3A_155 : vector<1x1024xf32> to vector<128x1024xf32>
    %eq3A_160 = vector.broadcast %get3A_16 : vector<128x1xf32> to vector<128x1024xf32>
    %eq3A_161 = arith.cmpf oeq, %eq3A_159, %eq3A_160 : vector<128x1024xf32>
    %sub3A_162 = arith.constant 1024 : i32
    %sub3A_163 = vector.broadcast %sub3A_162 : i32 to vector<128x1xi32>
    %sub3A_164 = arith.subi %add3A_18, %sub3A_163 : vector<128x1xi32>
    %lt3A_165 = vector.broadcast %sub3A_164 : vector<128x1xi32> to vector<128x1024xi32>
    %lt3A_166 = arith.cmpi slt, %iota3A_19, %lt3A_165 : vector<128x1024xi32>
    %and3A_167 = arith.andi %eq3A_161, %lt3A_166 : vector<128x1024xi1>
    %or3A_168 = arith.ori %gt3A_158, %and3A_167 : vector<128x1024xi1>
    %convert_element_type3A_169 = arith.extui %or3A_168 : vector<128x1024xi1> to vector<128x1024xi32>
    %reduce_sum3A_170 = arith.constant dense<0> : vector<128xi32>
    %reduce_sum3A_171 = vector.multi_reduction <add>, %convert_element_type3A_169, %reduce_sum3A_170 [1] : vector<128x1024xi32> to vector<128xi32>
    %broadcast_in_dim3A_172 = vector.shape_cast %reduce_sum3A_171 : vector<128xi32> to vector<128x1xi32>
    %add3A_173 = arith.addi %add3A_91, %broadcast_in_dim3A_172 : vector<128x1xi32>
    %get3A_174 = arith.constant 0 : index
    %get3A_175 = arith.constant 2048 : index
    %get3A_176 = vector.load %arg7[%get3A_174, %get3A_175] : memref<1x20480xf32, #tpu.memory_space<vmem>>, vector<1x1024xf32>
    %max3A_177 = vector.broadcast %get3A_1 : vector<128x1xf32> to vector<128x1024xf32>
    %max3A_178 = vector.broadcast %get3A_176 : vector<1x1024xf32> to vector<128x1024xf32>
    %max3A_179 = arith.maximumf %max3A_177, %max3A_178 : vector<128x1024xf32>
    %get3A_180 = arith.constant 0 : index
    %get3A_181 = arith.constant 2048 : index
    %get3A_182 = vector.load %arg8[%get3A_180, %get3A_181] : memref<1x20480xf32, #tpu.memory_space<vmem>>, vector<1x1024xf32>
    %max3A_183 = vector.broadcast %get3A_4 : vector<128x1xf32> to vector<128x1024xf32>
    %max3A_184 = vector.broadcast %get3A_182 : vector<1x1024xf32> to vector<128x1024xf32>
    %max3A_185 = arith.maximumf %max3A_183, %max3A_184 : vector<128x1024xf32>
    %get3A_186 = arith.constant 0 : index
    %get3A_187 = arith.constant 2048 : index
    %get3A_188 = vector.load %arg9[%get3A_186, %get3A_187] : memref<1x20480xf32, #tpu.memory_space<vmem>>, vector<1x1024xf32>
    %min3A_189 = vector.broadcast %get3A_7 : vector<128x1xf32> to vector<128x1024xf32>
    %min3A_190 = vector.broadcast %get3A_188 : vector<1x1024xf32> to vector<128x1024xf32>
    %min3A_191 = arith.minimumf %min3A_189, %min3A_190 : vector<128x1024xf32>
    %get3A_192 = arith.constant 0 : index
    %get3A_193 = arith.constant 2048 : index
    %get3A_194 = vector.load %arg10[%get3A_192, %get3A_193] : memref<1x20480xf32, #tpu.memory_space<vmem>>, vector<1x1024xf32>
    %min3A_195 = vector.broadcast %get3A_10 : vector<128x1xf32> to vector<128x1024xf32>
    %min3A_196 = vector.broadcast %get3A_194 : vector<1x1024xf32> to vector<128x1024xf32>
    %min3A_197 = arith.minimumf %min3A_195, %min3A_196 : vector<128x1024xf32>
    %sub3A_198 = arith.subf %min3A_191, %max3A_179 : vector<128x1024xf32>
    %max3A_199 = arith.constant 0.000000e+00 : f32
    %max3A_200 = vector.broadcast %max3A_199 : f32 to vector<128x1024xf32>
    %max3A_201 = arith.maximumf %sub3A_198, %max3A_200 : vector<128x1024xf32>
    %sub3A_202 = arith.subf %min3A_197, %max3A_185 : vector<128x1024xf32>
    %max3A_203 = arith.constant 0.000000e+00 : f32
    %max3A_204 = vector.broadcast %max3A_203 : f32 to vector<128x1024xf32>
    %max3A_205 = arith.maximumf %sub3A_202, %max3A_204 : vector<128x1024xf32>
    %mul3A_206 = arith.mulf %max3A_201, %max3A_205 : vector<128x1024xf32>
    %get3A_207 = arith.constant 0 : index
    %get3A_208 = arith.constant 2048 : index
    %get3A_209 = vector.load %arg11[%get3A_207, %get3A_208] : memref<1x20480xf32, #tpu.memory_space<vmem>>, vector<1x1024xf32>
    %add3A_210 = vector.broadcast %get3A_13 : vector<128x1xf32> to vector<128x1024xf32>
    %add3A_211 = vector.broadcast %get3A_209 : vector<1x1024xf32> to vector<128x1024xf32>
    %add3A_212 = arith.addf %add3A_210, %add3A_211 : vector<128x1024xf32>
    %sub3A_213 = arith.subf %add3A_212, %mul3A_206 : vector<128x1024xf32>
    %add3A_214 = arith.constant 9.99999997E-7 : f32
    %add3A_215 = vector.broadcast %add3A_214 : f32 to vector<128x1024xf32>
    %add3A_216 = arith.addf %sub3A_213, %add3A_215 : vector<128x1024xf32>
    %div3A_217 = arith.divf %mul3A_206, %add3A_216 : vector<128x1024xf32>
    %reduce_max3A_218 = arith.constant dense<0xFF800000> : vector<128xf32>
    %reduce_max3A_219 = vector.multi_reduction <maximumf>, %div3A_217, %reduce_max3A_218 [1] : vector<128x1024xf32> to vector<128xf32>
    %broadcast_in_dim3A_220 = vector.shape_cast %reduce_max3A_219 : vector<128xf32> to vector<128x1xf32>
    %eq3A_221 = vector.broadcast %broadcast_in_dim3A_220 : vector<128x1xf32> to vector<128x1024xf32>
    %eq3A_222 = arith.cmpf oeq, %div3A_217, %eq3A_221 : vector<128x1024xf32>
    %jit3A_223 = arith.constant 1024 : i32
    %broadcast_in_dim3A_224 = vector.broadcast %jit3A_223 : i32 to vector<128x1024xi32>
    %select_n3A_225 = arith.select %eq3A_222, %iota3A_19, %broadcast_in_dim3A_224 : vector<128x1024xi1>, vector<128x1024xi32>
    %reduce_min3A_226 = arith.constant dense<2147483647> : vector<128xi32>
    %reduce_min3A_227 = vector.multi_reduction <minsi>, %select_n3A_225, %reduce_min3A_226 [1] : vector<128x1024xi32> to vector<128xi32>
    %broadcast_in_dim3A_228 = vector.shape_cast %reduce_min3A_227 : vector<128xi32> to vector<128x1xi32>
    %add3A_229 = arith.constant 2048 : i32
    %add3A_230 = vector.broadcast %add3A_229 : i32 to vector<128x1xi32>
    %add3A_231 = arith.addi %broadcast_in_dim3A_228, %add3A_230 : vector<128x1xi32>
    %gt3A_232 = arith.cmpf ogt, %broadcast_in_dim3A_220, %select_n3A_152 : vector<128x1xf32>
    %select_n3A_233 = arith.select %gt3A_232, %add3A_231, %select_n3A_151 : vector<128x1xi1>, vector<128x1xi32>
    %select_n3A_234 = arith.select %gt3A_232, %broadcast_in_dim3A_220, %select_n3A_152 : vector<128x1xi1>, vector<128x1xf32>
    %get3A_235 = arith.constant 0 : index
    %get3A_236 = arith.constant 2048 : index
    %get3A_237 = vector.load %arg12[%get3A_235, %get3A_236] : memref<1x20480xf32, #tpu.memory_space<vmem>>, vector<1x1024xf32>
    %gt3A_238 = vector.broadcast %get3A_237 : vector<1x1024xf32> to vector<128x1024xf32>
    %gt3A_239 = vector.broadcast %get3A_16 : vector<128x1xf32> to vector<128x1024xf32>
    %gt3A_240 = arith.cmpf ogt, %gt3A_238, %gt3A_239 : vector<128x1024xf32>
    %eq3A_241 = vector.broadcast %get3A_237 : vector<1x1024xf32> to vector<128x1024xf32>
    %eq3A_242 = vector.broadcast %get3A_16 : vector<128x1xf32> to vector<128x1024xf32>
    %eq3A_243 = arith.cmpf oeq, %eq3A_241, %eq3A_242 : vector<128x1024xf32>
    %sub3A_244 = arith.constant 2048 : i32
    %sub3A_245 = vector.broadcast %sub3A_244 : i32 to vector<128x1xi32>
    %sub3A_246 = arith.subi %add3A_18, %sub3A_245 : vector<128x1xi32>
    %lt3A_247 = vector.broadcast %sub3A_246 : vector<128x1xi32> to vector<128x1024xi32>
    %lt3A_248 = arith.cmpi slt, %iota3A_19, %lt3A_247 : vector<128x1024xi32>
    %and3A_249 = arith.andi %eq3A_243, %lt3A_248 : vector<128x1024xi1>
    %or3A_250 = arith.ori %gt3A_240, %and3A_249 : vector<128x1024xi1>
    %convert_element_type3A_251 = arith.extui %or3A_250 : vector<128x1024xi1> to vector<128x1024xi32>
    %reduce_sum3A_252 = arith.constant dense<0> : vector<128xi32>
    %reduce_sum3A_253 = vector.multi_reduction <add>, %convert_element_type3A_251, %reduce_sum3A_252 [1] : vector<128x1024xi32> to vector<128xi32>
    %broadcast_in_dim3A_254 = vector.shape_cast %reduce_sum3A_253 : vector<128xi32> to vector<128x1xi32>
    %add3A_255 = arith.addi %add3A_173, %broadcast_in_dim3A_254 : vector<128x1xi32>
    %get3A_256 = arith.constant 0 : index
    %get3A_257 = arith.constant 3072 : index
    %get3A_258 = vector.load %arg7[%get3A_256, %get3A_257] : memref<1x20480xf32, #tpu.memory_space<vmem>>, vector<1x1024xf32>
    %max3A_259 = vector.broadcast %get3A_1 : vector<128x1xf32> to vector<128x1024xf32>
    %max3A_260 = vector.broadcast %get3A_258 : vector<1x1024xf32> to vector<128x1024xf32>
    %max3A_261 = arith.maximumf %max3A_259, %max3A_260 : vector<128x1024xf32>
    %get3A_262 = arith.constant 0 : index
    %get3A_263 = arith.constant 3072 : index
    %get3A_264 = vector.load %arg8[%get3A_262, %get3A_263] : memref<1x20480xf32, #tpu.memory_space<vmem>>, vector<1x1024xf32>
    %max3A_265 = vector.broadcast %get3A_4 : vector<128x1xf32> to vector<128x1024xf32>
    %max3A_266 = vector.broadcast %get3A_264 : vector<1x1024xf32> to vector<128x1024xf32>
    %max3A_267 = arith.maximumf %max3A_265, %max3A_266 : vector<128x1024xf32>
    %get3A_268 = arith.constant 0 : index
    %get3A_269 = arith.constant 3072 : index
    %get3A_270 = vector.load %arg9[%get3A_268, %get3A_269] : memref<1x20480xf32, #tpu.memory_space<vmem>>, vector<1x1024xf32>
    %min3A_271 = vector.broadcast %get3A_7 : vector<128x1xf32> to vector<128x1024xf32>
    %min3A_272 = vector.broadcast %get3A_270 : vector<1x1024xf32> to vector<128x1024xf32>
    %min3A_273 = arith.minimumf %min3A_271, %min3A_272 : vector<128x1024xf32>
    %get3A_274 = arith.constant 0 : index
    %get3A_275 = arith.constant 3072 : index
    %get3A_276 = vector.load %arg10[%get3A_274, %get3A_275] : memref<1x20480xf32, #tpu.memory_space<vmem>>, vector<1x1024xf32>
    %min3A_277 = vector.broadcast %get3A_10 : vector<128x1xf32> to vector<128x1024xf32>
    %min3A_278 = vector.broadcast %get3A_276 : vector<1x1024xf32> to vector<128x1024xf32>
    %min3A_279 = arith.minimumf %min3A_277, %min3A_278 : vector<128x1024xf32>
    %sub3A_280 = arith.subf %min3A_273, %max3A_261 : vector<128x1024xf32>
    %max3A_281 = arith.constant 0.000000e+00 : f32
    %max3A_282 = vector.broadcast %max3A_281 : f32 to vector<128x1024xf32>
    %max3A_283 = arith.maximumf %sub3A_280, %max3A_282 : vector<128x1024xf32>
    %sub3A_284 = arith.subf %min3A_279, %max3A_267 : vector<128x1024xf32>
    %max3A_285 = arith.constant 0.000000e+00 : f32
    %max3A_286 = vector.broadcast %max3A_285 : f32 to vector<128x1024xf32>
    %max3A_287 = arith.maximumf %sub3A_284, %max3A_286 : vector<128x1024xf32>
    %mul3A_288 = arith.mulf %max3A_283, %max3A_287 : vector<128x1024xf32>
    %get3A_289 = arith.constant 0 : index
    %get3A_290 = arith.constant 3072 : index
    %get3A_291 = vector.load %arg11[%get3A_289, %get3A_290] : memref<1x20480xf32, #tpu.memory_space<vmem>>, vector<1x1024xf32>
    %add3A_292 = vector.broadcast %get3A_13 : vector<128x1xf32> to vector<128x1024xf32>
    %add3A_293 = vector.broadcast %get3A_291 : vector<1x1024xf32> to vector<128x1024xf32>
    %add3A_294 = arith.addf %add3A_292, %add3A_293 : vector<128x1024xf32>
    %sub3A_295 = arith.subf %add3A_294, %mul3A_288 : vector<128x1024xf32>
    %add3A_296 = arith.constant 9.99999997E-7 : f32
    %add3A_297 = vector.broadcast %add3A_296 : f32 to vector<128x1024xf32>
    %add3A_298 = arith.addf %sub3A_295, %add3A_297 : vector<128x1024xf32>
    %div3A_299 = arith.divf %mul3A_288, %add3A_298 : vector<128x1024xf32>
    %reduce_max3A_300 = arith.constant dense<0xFF800000> : vector<128xf32>
    %reduce_max3A_301 = vector.multi_reduction <maximumf>, %div3A_299, %reduce_max3A_300 [1] : vector<128x1024xf32> to vector<128xf32>
    %broadcast_in_dim3A_302 = vector.shape_cast %reduce_max3A_301 : vector<128xf32> to vector<128x1xf32>
    %eq3A_303 = vector.broadcast %broadcast_in_dim3A_302 : vector<128x1xf32> to vector<128x1024xf32>
    %eq3A_304 = arith.cmpf oeq, %div3A_299, %eq3A_303 : vector<128x1024xf32>
    %jit3A_305 = arith.constant 1024 : i32
    %broadcast_in_dim3A_306 = vector.broadcast %jit3A_305 : i32 to vector<128x1024xi32>
    %select_n3A_307 = arith.select %eq3A_304, %iota3A_19, %broadcast_in_dim3A_306 : vector<128x1024xi1>, vector<128x1024xi32>
    %reduce_min3A_308 = arith.constant dense<2147483647> : vector<128xi32>
    %reduce_min3A_309 = vector.multi_reduction <minsi>, %select_n3A_307, %reduce_min3A_308 [1] : vector<128x1024xi32> to vector<128xi32>
    %broadcast_in_dim3A_310 = vector.shape_cast %reduce_min3A_309 : vector<128xi32> to vector<128x1xi32>
    %add3A_311 = arith.constant 3072 : i32
    %add3A_312 = vector.broadcast %add3A_311 : i32 to vector<128x1xi32>
    %add3A_313 = arith.addi %broadcast_in_dim3A_310, %add3A_312 : vector<128x1xi32>
    %gt3A_314 = arith.cmpf ogt, %broadcast_in_dim3A_302, %select_n3A_234 : vector<128x1xf32>
    %select_n3A_315 = arith.select %gt3A_314, %add3A_313, %select_n3A_233 : vector<128x1xi1>, vector<128x1xi32>
    %select_n3A_316 = arith.select %gt3A_314, %broadcast_in_dim3A_302, %select_n3A_234 : vector<128x1xi1>, vector<128x1xf32>
    %get3A_317 = arith.constant 0 : index
    %get3A_318 = arith.constant 3072 : index
    %get3A_319 = vector.load %arg12[%get3A_317, %get3A_318] : memref<1x20480xf32, #tpu.memory_space<vmem>>, vector<1x1024xf32>
    %gt3A_320 = vector.broadcast %get3A_319 : vector<1x1024xf32> to vector<128x1024xf32>
    %gt3A_321 = vector.broadcast %get3A_16 : vector<128x1xf32> to vector<128x1024xf32>
    %gt3A_322 = arith.cmpf ogt, %gt3A_320, %gt3A_321 : vector<128x1024xf32>
    %eq3A_323 = vector.broadcast %get3A_319 : vector<1x1024xf32> to vector<128x1024xf32>
    %eq3A_324 = vector.broadcast %get3A_16 : vector<128x1xf32> to vector<128x1024xf32>
    %eq3A_325 = arith.cmpf oeq, %eq3A_323, %eq3A_324 : vector<128x1024xf32>
    %sub3A_326 = arith.constant 3072 : i32
    %sub3A_327 = vector.broadcast %sub3A_326 : i32 to vector<128x1xi32>
    %sub3A_328 = arith.subi %add3A_18, %sub3A_327 : vector<128x1xi32>
    %lt3A_329 = vector.broadcast %sub3A_328 : vector<128x1xi32> to vector<128x1024xi32>
    %lt3A_330 = arith.cmpi slt, %iota3A_19, %lt3A_329 : vector<128x1024xi32>
    %and3A_331 = arith.andi %eq3A_325, %lt3A_330 : vector<128x1024xi1>
    %or3A_332 = arith.ori %gt3A_322, %and3A_331 : vector<128x1024xi1>
    %convert_element_type3A_333 = arith.extui %or3A_332 : vector<128x1024xi1> to vector<128x1024xi32>
    %reduce_sum3A_334 = arith.constant dense<0> : vector<128xi32>
    %reduce_sum3A_335 = vector.multi_reduction <add>, %convert_element_type3A_333, %reduce_sum3A_334 [1] : vector<128x1024xi32> to vector<128xi32>
    %broadcast_in_dim3A_336 = vector.shape_cast %reduce_sum3A_335 : vector<128xi32> to vector<128x1xi32>
    %add3A_337 = arith.addi %add3A_255, %broadcast_in_dim3A_336 : vector<128x1xi32>
    %get3A_338 = arith.constant 0 : index
    %get3A_339 = arith.constant 4096 : index
    %get3A_340 = vector.load %arg7[%get3A_338, %get3A_339] : memref<1x20480xf32, #tpu.memory_space<vmem>>, vector<1x1024xf32>
    %max3A_341 = vector.broadcast %get3A_1 : vector<128x1xf32> to vector<128x1024xf32>
    %max3A_342 = vector.broadcast %get3A_340 : vector<1x1024xf32> to vector<128x1024xf32>
    %max3A_343 = arith.maximumf %max3A_341, %max3A_342 : vector<128x1024xf32>
    %get3A_344 = arith.constant 0 : index
    %get3A_345 = arith.constant 4096 : index
    %get3A_346 = vector.load %arg8[%get3A_344, %get3A_345] : memref<1x20480xf32, #tpu.memory_space<vmem>>, vector<1x1024xf32>
    %max3A_347 = vector.broadcast %get3A_4 : vector<128x1xf32> to vector<128x1024xf32>
    %max3A_348 = vector.broadcast %get3A_346 : vector<1x1024xf32> to vector<128x1024xf32>
    %max3A_349 = arith.maximumf %max3A_347, %max3A_348 : vector<128x1024xf32>
    %get3A_350 = arith.constant 0 : index
    %get3A_351 = arith.constant 4096 : index
    %get3A_352 = vector.load %arg9[%get3A_350, %get3A_351] : memref<1x20480xf32, #tpu.memory_space<vmem>>, vector<1x1024xf32>
    %min3A_353 = vector.broadcast %get3A_7 : vector<128x1xf32> to vector<128x1024xf32>
    %min3A_354 = vector.broadcast %get3A_352 : vector<1x1024xf32> to vector<128x1024xf32>
    %min3A_355 = arith.minimumf %min3A_353, %min3A_354 : vector<128x1024xf32>
    %get3A_356 = arith.constant 0 : index
    %get3A_357 = arith.constant 4096 : index
    %get3A_358 = vector.load %arg10[%get3A_356, %get3A_357] : memref<1x20480xf32, #tpu.memory_space<vmem>>, vector<1x1024xf32>
    %min3A_359 = vector.broadcast %get3A_10 : vector<128x1xf32> to vector<128x1024xf32>
    %min3A_360 = vector.broadcast %get3A_358 : vector<1x1024xf32> to vector<128x1024xf32>
    %min3A_361 = arith.minimumf %min3A_359, %min3A_360 : vector<128x1024xf32>
    %sub3A_362 = arith.subf %min3A_355, %max3A_343 : vector<128x1024xf32>
    %max3A_363 = arith.constant 0.000000e+00 : f32
    %max3A_364 = vector.broadcast %max3A_363 : f32 to vector<128x1024xf32>
    %max3A_365 = arith.maximumf %sub3A_362, %max3A_364 : vector<128x1024xf32>
    %sub3A_366 = arith.subf %min3A_361, %max3A_349 : vector<128x1024xf32>
    %max3A_367 = arith.constant 0.000000e+00 : f32
    %max3A_368 = vector.broadcast %max3A_367 : f32 to vector<128x1024xf32>
    %max3A_369 = arith.maximumf %sub3A_366, %max3A_368 : vector<128x1024xf32>
    %mul3A_370 = arith.mulf %max3A_365, %max3A_369 : vector<128x1024xf32>
    %get3A_371 = arith.constant 0 : index
    %get3A_372 = arith.constant 4096 : index
    %get3A_373 = vector.load %arg11[%get3A_371, %get3A_372] : memref<1x20480xf32, #tpu.memory_space<vmem>>, vector<1x1024xf32>
    %add3A_374 = vector.broadcast %get3A_13 : vector<128x1xf32> to vector<128x1024xf32>
    %add3A_375 = vector.broadcast %get3A_373 : vector<1x1024xf32> to vector<128x1024xf32>
    %add3A_376 = arith.addf %add3A_374, %add3A_375 : vector<128x1024xf32>
    %sub3A_377 = arith.subf %add3A_376, %mul3A_370 : vector<128x1024xf32>
    %add3A_378 = arith.constant 9.99999997E-7 : f32
    %add3A_379 = vector.broadcast %add3A_378 : f32 to vector<128x1024xf32>
    %add3A_380 = arith.addf %sub3A_377, %add3A_379 : vector<128x1024xf32>
    %div3A_381 = arith.divf %mul3A_370, %add3A_380 : vector<128x1024xf32>
    %reduce_max3A_382 = arith.constant dense<0xFF800000> : vector<128xf32>
    %reduce_max3A_383 = vector.multi_reduction <maximumf>, %div3A_381, %reduce_max3A_382 [1] : vector<128x1024xf32> to vector<128xf32>
    %broadcast_in_dim3A_384 = vector.shape_cast %reduce_max3A_383 : vector<128xf32> to vector<128x1xf32>
    %eq3A_385 = vector.broadcast %broadcast_in_dim3A_384 : vector<128x1xf32> to vector<128x1024xf32>
    %eq3A_386 = arith.cmpf oeq, %div3A_381, %eq3A_385 : vector<128x1024xf32>
    %jit3A_387 = arith.constant 1024 : i32
    %broadcast_in_dim3A_388 = vector.broadcast %jit3A_387 : i32 to vector<128x1024xi32>
    %select_n3A_389 = arith.select %eq3A_386, %iota3A_19, %broadcast_in_dim3A_388 : vector<128x1024xi1>, vector<128x1024xi32>
    %reduce_min3A_390 = arith.constant dense<2147483647> : vector<128xi32>
    %reduce_min3A_391 = vector.multi_reduction <minsi>, %select_n3A_389, %reduce_min3A_390 [1] : vector<128x1024xi32> to vector<128xi32>
    %broadcast_in_dim3A_392 = vector.shape_cast %reduce_min3A_391 : vector<128xi32> to vector<128x1xi32>
    %add3A_393 = arith.constant 4096 : i32
    %add3A_394 = vector.broadcast %add3A_393 : i32 to vector<128x1xi32>
    %add3A_395 = arith.addi %broadcast_in_dim3A_392, %add3A_394 : vector<128x1xi32>
    %gt3A_396 = arith.cmpf ogt, %broadcast_in_dim3A_384, %select_n3A_316 : vector<128x1xf32>
    %select_n3A_397 = arith.select %gt3A_396, %add3A_395, %select_n3A_315 : vector<128x1xi1>, vector<128x1xi32>
    %select_n3A_398 = arith.select %gt3A_396, %broadcast_in_dim3A_384, %select_n3A_316 : vector<128x1xi1>, vector<128x1xf32>
    %get3A_399 = arith.constant 0 : index
    %get3A_400 = arith.constant 4096 : index
    %get3A_401 = vector.load %arg12[%get3A_399, %get3A_400] : memref<1x20480xf32, #tpu.memory_space<vmem>>, vector<1x1024xf32>
    %gt3A_402 = vector.broadcast %get3A_401 : vector<1x1024xf32> to vector<128x1024xf32>
    %gt3A_403 = vector.broadcast %get3A_16 : vector<128x1xf32> to vector<128x1024xf32>
    %gt3A_404 = arith.cmpf ogt, %gt3A_402, %gt3A_403 : vector<128x1024xf32>
    %eq3A_405 = vector.broadcast %get3A_401 : vector<1x1024xf32> to vector<128x1024xf32>
    %eq3A_406 = vector.broadcast %get3A_16 : vector<128x1xf32> to vector<128x1024xf32>
    %eq3A_407 = arith.cmpf oeq, %eq3A_405, %eq3A_406 : vector<128x1024xf32>
    %sub3A_408 = arith.constant 4096 : i32
    %sub3A_409 = vector.broadcast %sub3A_408 : i32 to vector<128x1xi32>
    %sub3A_410 = arith.subi %add3A_18, %sub3A_409 : vector<128x1xi32>
    %lt3A_411 = vector.broadcast %sub3A_410 : vector<128x1xi32> to vector<128x1024xi32>
    %lt3A_412 = arith.cmpi slt, %iota3A_19, %lt3A_411 : vector<128x1024xi32>
    %and3A_413 = arith.andi %eq3A_407, %lt3A_412 : vector<128x1024xi1>
    %or3A_414 = arith.ori %gt3A_404, %and3A_413 : vector<128x1024xi1>
    %convert_element_type3A_415 = arith.extui %or3A_414 : vector<128x1024xi1> to vector<128x1024xi32>
    %reduce_sum3A_416 = arith.constant dense<0> : vector<128xi32>
    %reduce_sum3A_417 = vector.multi_reduction <add>, %convert_element_type3A_415, %reduce_sum3A_416 [1] : vector<128x1024xi32> to vector<128xi32>
    %broadcast_in_dim3A_418 = vector.shape_cast %reduce_sum3A_417 : vector<128xi32> to vector<128x1xi32>
    %add3A_419 = arith.addi %add3A_337, %broadcast_in_dim3A_418 : vector<128x1xi32>
    %get3A_420 = arith.constant 0 : index
    %get3A_421 = arith.constant 5120 : index
    %get3A_422 = vector.load %arg7[%get3A_420, %get3A_421] : memref<1x20480xf32, #tpu.memory_space<vmem>>, vector<1x1024xf32>
    %max3A_423 = vector.broadcast %get3A_1 : vector<128x1xf32> to vector<128x1024xf32>
    %max3A_424 = vector.broadcast %get3A_422 : vector<1x1024xf32> to vector<128x1024xf32>
    %max3A_425 = arith.maximumf %max3A_423, %max3A_424 : vector<128x1024xf32>
    %get3A_426 = arith.constant 0 : index
    %get3A_427 = arith.constant 5120 : index
    %get3A_428 = vector.load %arg8[%get3A_426, %get3A_427] : memref<1x20480xf32, #tpu.memory_space<vmem>>, vector<1x1024xf32>
    %max3A_429 = vector.broadcast %get3A_4 : vector<128x1xf32> to vector<128x1024xf32>
    %max3A_430 = vector.broadcast %get3A_428 : vector<1x1024xf32> to vector<128x1024xf32>
    %max3A_431 = arith.maximumf %max3A_429, %max3A_430 : vector<128x1024xf32>
    %get3A_432 = arith.constant 0 : index
    %get3A_433 = arith.constant 5120 : index
    %get3A_434 = vector.load %arg9[%get3A_432, %get3A_433] : memref<1x20480xf32, #tpu.memory_space<vmem>>, vector<1x1024xf32>
    %min3A_435 = vector.broadcast %get3A_7 : vector<128x1xf32> to vector<128x1024xf32>
    %min3A_436 = vector.broadcast %get3A_434 : vector<1x1024xf32> to vector<128x1024xf32>
    %min3A_437 = arith.minimumf %min3A_435, %min3A_436 : vector<128x1024xf32>
    %get3A_438 = arith.constant 0 : index
    %get3A_439 = arith.constant 5120 : index
    %get3A_440 = vector.load %arg10[%get3A_438, %get3A_439] : memref<1x20480xf32, #tpu.memory_space<vmem>>, vector<1x1024xf32>
    %min3A_441 = vector.broadcast %get3A_10 : vector<128x1xf32> to vector<128x1024xf32>
    %min3A_442 = vector.broadcast %get3A_440 : vector<1x1024xf32> to vector<128x1024xf32>
    %min3A_443 = arith.minimumf %min3A_441, %min3A_442 : vector<128x1024xf32>
    %sub3A_444 = arith.subf %min3A_437, %max3A_425 : vector<128x1024xf32>
    %max3A_445 = arith.constant 0.000000e+00 : f32
    %max3A_446 = vector.broadcast %max3A_445 : f32 to vector<128x1024xf32>
    %max3A_447 = arith.maximumf %sub3A_444, %max3A_446 : vector<128x1024xf32>
    %sub3A_448 = arith.subf %min3A_443, %max3A_431 : vector<128x1024xf32>
    %max3A_449 = arith.constant 0.000000e+00 : f32
    %max3A_450 = vector.broadcast %max3A_449 : f32 to vector<128x1024xf32>
    %max3A_451 = arith.maximumf %sub3A_448, %max3A_450 : vector<128x1024xf32>
    %mul3A_452 = arith.mulf %max3A_447, %max3A_451 : vector<128x1024xf32>
    %get3A_453 = arith.constant 0 : index
    %get3A_454 = arith.constant 5120 : index
    %get3A_455 = vector.load %arg11[%get3A_453, %get3A_454] : memref<1x20480xf32, #tpu.memory_space<vmem>>, vector<1x1024xf32>
    %add3A_456 = vector.broadcast %get3A_13 : vector<128x1xf32> to vector<128x1024xf32>
    %add3A_457 = vector.broadcast %get3A_455 : vector<1x1024xf32> to vector<128x1024xf32>
    %add3A_458 = arith.addf %add3A_456, %add3A_457 : vector<128x1024xf32>
    %sub3A_459 = arith.subf %add3A_458, %mul3A_452 : vector<128x1024xf32>
    %add3A_460 = arith.constant 9.99999997E-7 : f32
    %add3A_461 = vector.broadcast %add3A_460 : f32 to vector<128x1024xf32>
    %add3A_462 = arith.addf %sub3A_459, %add3A_461 : vector<128x1024xf32>
    %div3A_463 = arith.divf %mul3A_452, %add3A_462 : vector<128x1024xf32>
    %reduce_max3A_464 = arith.constant dense<0xFF800000> : vector<128xf32>
    %reduce_max3A_465 = vector.multi_reduction <maximumf>, %div3A_463, %reduce_max3A_464 [1] : vector<128x1024xf32> to vector<128xf32>
    %broadcast_in_dim3A_466 = vector.shape_cast %reduce_max3A_465 : vector<128xf32> to vector<128x1xf32>
    %eq3A_467 = vector.broadcast %broadcast_in_dim3A_466 : vector<128x1xf32> to vector<128x1024xf32>
    %eq3A_468 = arith.cmpf oeq, %div3A_463, %eq3A_467 : vector<128x1024xf32>
    %jit3A_469 = arith.constant 1024 : i32
    %broadcast_in_dim3A_470 = vector.broadcast %jit3A_469 : i32 to vector<128x1024xi32>
    %select_n3A_471 = arith.select %eq3A_468, %iota3A_19, %broadcast_in_dim3A_470 : vector<128x1024xi1>, vector<128x1024xi32>
    %reduce_min3A_472 = arith.constant dense<2147483647> : vector<128xi32>
    %reduce_min3A_473 = vector.multi_reduction <minsi>, %select_n3A_471, %reduce_min3A_472 [1] : vector<128x1024xi32> to vector<128xi32>
    %broadcast_in_dim3A_474 = vector.shape_cast %reduce_min3A_473 : vector<128xi32> to vector<128x1xi32>
    %add3A_475 = arith.constant 5120 : i32
    %add3A_476 = vector.broadcast %add3A_475 : i32 to vector<128x1xi32>
    %add3A_477 = arith.addi %broadcast_in_dim3A_474, %add3A_476 : vector<128x1xi32>
    %gt3A_478 = arith.cmpf ogt, %broadcast_in_dim3A_466, %select_n3A_398 : vector<128x1xf32>
    %select_n3A_479 = arith.select %gt3A_478, %add3A_477, %select_n3A_397 : vector<128x1xi1>, vector<128x1xi32>
    %select_n3A_480 = arith.select %gt3A_478, %broadcast_in_dim3A_466, %select_n3A_398 : vector<128x1xi1>, vector<128x1xf32>
    %get3A_481 = arith.constant 0 : index
    %get3A_482 = arith.constant 5120 : index
    %get3A_483 = vector.load %arg12[%get3A_481, %get3A_482] : memref<1x20480xf32, #tpu.memory_space<vmem>>, vector<1x1024xf32>
    %gt3A_484 = vector.broadcast %get3A_483 : vector<1x1024xf32> to vector<128x1024xf32>
    %gt3A_485 = vector.broadcast %get3A_16 : vector<128x1xf32> to vector<128x1024xf32>
    %gt3A_486 = arith.cmpf ogt, %gt3A_484, %gt3A_485 : vector<128x1024xf32>
    %eq3A_487 = vector.broadcast %get3A_483 : vector<1x1024xf32> to vector<128x1024xf32>
    %eq3A_488 = vector.broadcast %get3A_16 : vector<128x1xf32> to vector<128x1024xf32>
    %eq3A_489 = arith.cmpf oeq, %eq3A_487, %eq3A_488 : vector<128x1024xf32>
    %sub3A_490 = arith.constant 5120 : i32
    %sub3A_491 = vector.broadcast %sub3A_490 : i32 to vector<128x1xi32>
    %sub3A_492 = arith.subi %add3A_18, %sub3A_491 : vector<128x1xi32>
    %lt3A_493 = vector.broadcast %sub3A_492 : vector<128x1xi32> to vector<128x1024xi32>
    %lt3A_494 = arith.cmpi slt, %iota3A_19, %lt3A_493 : vector<128x1024xi32>
    %and3A_495 = arith.andi %eq3A_489, %lt3A_494 : vector<128x1024xi1>
    %or3A_496 = arith.ori %gt3A_486, %and3A_495 : vector<128x1024xi1>
    %convert_element_type3A_497 = arith.extui %or3A_496 : vector<128x1024xi1> to vector<128x1024xi32>
    %reduce_sum3A_498 = arith.constant dense<0> : vector<128xi32>
    %reduce_sum3A_499 = vector.multi_reduction <add>, %convert_element_type3A_497, %reduce_sum3A_498 [1] : vector<128x1024xi32> to vector<128xi32>
    %broadcast_in_dim3A_500 = vector.shape_cast %reduce_sum3A_499 : vector<128xi32> to vector<128x1xi32>
    %add3A_501 = arith.addi %add3A_419, %broadcast_in_dim3A_500 : vector<128x1xi32>
    %get3A_502 = arith.constant 0 : index
    %get3A_503 = arith.constant 6144 : index
    %get3A_504 = vector.load %arg7[%get3A_502, %get3A_503] : memref<1x20480xf32, #tpu.memory_space<vmem>>, vector<1x1024xf32>
    %max3A_505 = vector.broadcast %get3A_1 : vector<128x1xf32> to vector<128x1024xf32>
    %max3A_506 = vector.broadcast %get3A_504 : vector<1x1024xf32> to vector<128x1024xf32>
    %max3A_507 = arith.maximumf %max3A_505, %max3A_506 : vector<128x1024xf32>
    %get3A_508 = arith.constant 0 : index
    %get3A_509 = arith.constant 6144 : index
    %get3A_510 = vector.load %arg8[%get3A_508, %get3A_509] : memref<1x20480xf32, #tpu.memory_space<vmem>>, vector<1x1024xf32>
    %max3A_511 = vector.broadcast %get3A_4 : vector<128x1xf32> to vector<128x1024xf32>
    %max3A_512 = vector.broadcast %get3A_510 : vector<1x1024xf32> to vector<128x1024xf32>
    %max3A_513 = arith.maximumf %max3A_511, %max3A_512 : vector<128x1024xf32>
    %get3A_514 = arith.constant 0 : index
    %get3A_515 = arith.constant 6144 : index
    %get3A_516 = vector.load %arg9[%get3A_514, %get3A_515] : memref<1x20480xf32, #tpu.memory_space<vmem>>, vector<1x1024xf32>
    %min3A_517 = vector.broadcast %get3A_7 : vector<128x1xf32> to vector<128x1024xf32>
    %min3A_518 = vector.broadcast %get3A_516 : vector<1x1024xf32> to vector<128x1024xf32>
    %min3A_519 = arith.minimumf %min3A_517, %min3A_518 : vector<128x1024xf32>
    %get3A_520 = arith.constant 0 : index
    %get3A_521 = arith.constant 6144 : index
    %get3A_522 = vector.load %arg10[%get3A_520, %get3A_521] : memref<1x20480xf32, #tpu.memory_space<vmem>>, vector<1x1024xf32>
    %min3A_523 = vector.broadcast %get3A_10 : vector<128x1xf32> to vector<128x1024xf32>
    %min3A_524 = vector.broadcast %get3A_522 : vector<1x1024xf32> to vector<128x1024xf32>
    %min3A_525 = arith.minimumf %min3A_523, %min3A_524 : vector<128x1024xf32>
    %sub3A_526 = arith.subf %min3A_519, %max3A_507 : vector<128x1024xf32>
    %max3A_527 = arith.constant 0.000000e+00 : f32
    %max3A_528 = vector.broadcast %max3A_527 : f32 to vector<128x1024xf32>
    %max3A_529 = arith.maximumf %sub3A_526, %max3A_528 : vector<128x1024xf32>
    %sub3A_530 = arith.subf %min3A_525, %max3A_513 : vector<128x1024xf32>
    %max3A_531 = arith.constant 0.000000e+00 : f32
    %max3A_532 = vector.broadcast %max3A_531 : f32 to vector<128x1024xf32>
    %max3A_533 = arith.maximumf %sub3A_530, %max3A_532 : vector<128x1024xf32>
    %mul3A_534 = arith.mulf %max3A_529, %max3A_533 : vector<128x1024xf32>
    %get3A_535 = arith.constant 0 : index
    %get3A_536 = arith.constant 6144 : index
    %get3A_537 = vector.load %arg11[%get3A_535, %get3A_536] : memref<1x20480xf32, #tpu.memory_space<vmem>>, vector<1x1024xf32>
    %add3A_538 = vector.broadcast %get3A_13 : vector<128x1xf32> to vector<128x1024xf32>
    %add3A_539 = vector.broadcast %get3A_537 : vector<1x1024xf32> to vector<128x1024xf32>
    %add3A_540 = arith.addf %add3A_538, %add3A_539 : vector<128x1024xf32>
    %sub3A_541 = arith.subf %add3A_540, %mul3A_534 : vector<128x1024xf32>
    %add3A_542 = arith.constant 9.99999997E-7 : f32
    %add3A_543 = vector.broadcast %add3A_542 : f32 to vector<128x1024xf32>
    %add3A_544 = arith.addf %sub3A_541, %add3A_543 : vector<128x1024xf32>
    %div3A_545 = arith.divf %mul3A_534, %add3A_544 : vector<128x1024xf32>
    %reduce_max3A_546 = arith.constant dense<0xFF800000> : vector<128xf32>
    %reduce_max3A_547 = vector.multi_reduction <maximumf>, %div3A_545, %reduce_max3A_546 [1] : vector<128x1024xf32> to vector<128xf32>
    %broadcast_in_dim3A_548 = vector.shape_cast %reduce_max3A_547 : vector<128xf32> to vector<128x1xf32>
    %eq3A_549 = vector.broadcast %broadcast_in_dim3A_548 : vector<128x1xf32> to vector<128x1024xf32>
    %eq3A_550 = arith.cmpf oeq, %div3A_545, %eq3A_549 : vector<128x1024xf32>
    %jit3A_551 = arith.constant 1024 : i32
    %broadcast_in_dim3A_552 = vector.broadcast %jit3A_551 : i32 to vector<128x1024xi32>
    %select_n3A_553 = arith.select %eq3A_550, %iota3A_19, %broadcast_in_dim3A_552 : vector<128x1024xi1>, vector<128x1024xi32>
    %reduce_min3A_554 = arith.constant dense<2147483647> : vector<128xi32>
    %reduce_min3A_555 = vector.multi_reduction <minsi>, %select_n3A_553, %reduce_min3A_554 [1] : vector<128x1024xi32> to vector<128xi32>
    %broadcast_in_dim3A_556 = vector.shape_cast %reduce_min3A_555 : vector<128xi32> to vector<128x1xi32>
    %add3A_557 = arith.constant 6144 : i32
    %add3A_558 = vector.broadcast %add3A_557 : i32 to vector<128x1xi32>
    %add3A_559 = arith.addi %broadcast_in_dim3A_556, %add3A_558 : vector<128x1xi32>
    %gt3A_560 = arith.cmpf ogt, %broadcast_in_dim3A_548, %select_n3A_480 : vector<128x1xf32>
    %select_n3A_561 = arith.select %gt3A_560, %add3A_559, %select_n3A_479 : vector<128x1xi1>, vector<128x1xi32>
    %select_n3A_562 = arith.select %gt3A_560, %broadcast_in_dim3A_548, %select_n3A_480 : vector<128x1xi1>, vector<128x1xf32>
    %get3A_563 = arith.constant 0 : index
    %get3A_564 = arith.constant 6144 : index
    %get3A_565 = vector.load %arg12[%get3A_563, %get3A_564] : memref<1x20480xf32, #tpu.memory_space<vmem>>, vector<1x1024xf32>
    %gt3A_566 = vector.broadcast %get3A_565 : vector<1x1024xf32> to vector<128x1024xf32>
    %gt3A_567 = vector.broadcast %get3A_16 : vector<128x1xf32> to vector<128x1024xf32>
    %gt3A_568 = arith.cmpf ogt, %gt3A_566, %gt3A_567 : vector<128x1024xf32>
    %eq3A_569 = vector.broadcast %get3A_565 : vector<1x1024xf32> to vector<128x1024xf32>
    %eq3A_570 = vector.broadcast %get3A_16 : vector<128x1xf32> to vector<128x1024xf32>
    %eq3A_571 = arith.cmpf oeq, %eq3A_569, %eq3A_570 : vector<128x1024xf32>
    %sub3A_572 = arith.constant 6144 : i32
    %sub3A_573 = vector.broadcast %sub3A_572 : i32 to vector<128x1xi32>
    %sub3A_574 = arith.subi %add3A_18, %sub3A_573 : vector<128x1xi32>
    %lt3A_575 = vector.broadcast %sub3A_574 : vector<128x1xi32> to vector<128x1024xi32>
    %lt3A_576 = arith.cmpi slt, %iota3A_19, %lt3A_575 : vector<128x1024xi32>
    %and3A_577 = arith.andi %eq3A_571, %lt3A_576 : vector<128x1024xi1>
    %or3A_578 = arith.ori %gt3A_568, %and3A_577 : vector<128x1024xi1>
    %convert_element_type3A_579 = arith.extui %or3A_578 : vector<128x1024xi1> to vector<128x1024xi32>
    %reduce_sum3A_580 = arith.constant dense<0> : vector<128xi32>
    %reduce_sum3A_581 = vector.multi_reduction <add>, %convert_element_type3A_579, %reduce_sum3A_580 [1] : vector<128x1024xi32> to vector<128xi32>
    %broadcast_in_dim3A_582 = vector.shape_cast %reduce_sum3A_581 : vector<128xi32> to vector<128x1xi32>
    %add3A_583 = arith.addi %add3A_501, %broadcast_in_dim3A_582 : vector<128x1xi32>
    %get3A_584 = arith.constant 0 : index
    %get3A_585 = arith.constant 7168 : index
    %get3A_586 = vector.load %arg7[%get3A_584, %get3A_585] : memref<1x20480xf32, #tpu.memory_space<vmem>>, vector<1x1024xf32>
    %max3A_587 = vector.broadcast %get3A_1 : vector<128x1xf32> to vector<128x1024xf32>
    %max3A_588 = vector.broadcast %get3A_586 : vector<1x1024xf32> to vector<128x1024xf32>
    %max3A_589 = arith.maximumf %max3A_587, %max3A_588 : vector<128x1024xf32>
    %get3A_590 = arith.constant 0 : index
    %get3A_591 = arith.constant 7168 : index
    %get3A_592 = vector.load %arg8[%get3A_590, %get3A_591] : memref<1x20480xf32, #tpu.memory_space<vmem>>, vector<1x1024xf32>
    %max3A_593 = vector.broadcast %get3A_4 : vector<128x1xf32> to vector<128x1024xf32>
    %max3A_594 = vector.broadcast %get3A_592 : vector<1x1024xf32> to vector<128x1024xf32>
    %max3A_595 = arith.maximumf %max3A_593, %max3A_594 : vector<128x1024xf32>
    %get3A_596 = arith.constant 0 : index
    %get3A_597 = arith.constant 7168 : index
    %get3A_598 = vector.load %arg9[%get3A_596, %get3A_597] : memref<1x20480xf32, #tpu.memory_space<vmem>>, vector<1x1024xf32>
    %min3A_599 = vector.broadcast %get3A_7 : vector<128x1xf32> to vector<128x1024xf32>
    %min3A_600 = vector.broadcast %get3A_598 : vector<1x1024xf32> to vector<128x1024xf32>
    %min3A_601 = arith.minimumf %min3A_599, %min3A_600 : vector<128x1024xf32>
    %get3A_602 = arith.constant 0 : index
    %get3A_603 = arith.constant 7168 : index
    %get3A_604 = vector.load %arg10[%get3A_602, %get3A_603] : memref<1x20480xf32, #tpu.memory_space<vmem>>, vector<1x1024xf32>
    %min3A_605 = vector.broadcast %get3A_10 : vector<128x1xf32> to vector<128x1024xf32>
    %min3A_606 = vector.broadcast %get3A_604 : vector<1x1024xf32> to vector<128x1024xf32>
    %min3A_607 = arith.minimumf %min3A_605, %min3A_606 : vector<128x1024xf32>
    %sub3A_608 = arith.subf %min3A_601, %max3A_589 : vector<128x1024xf32>
    %max3A_609 = arith.constant 0.000000e+00 : f32
    %max3A_610 = vector.broadcast %max3A_609 : f32 to vector<128x1024xf32>
    %max3A_611 = arith.maximumf %sub3A_608, %max3A_610 : vector<128x1024xf32>
    %sub3A_612 = arith.subf %min3A_607, %max3A_595 : vector<128x1024xf32>
    %max3A_613 = arith.constant 0.000000e+00 : f32
    %max3A_614 = vector.broadcast %max3A_613 : f32 to vector<128x1024xf32>
    %max3A_615 = arith.maximumf %sub3A_612, %max3A_614 : vector<128x1024xf32>
    %mul3A_616 = arith.mulf %max3A_611, %max3A_615 : vector<128x1024xf32>
    %get3A_617 = arith.constant 0 : index
    %get3A_618 = arith.constant 7168 : index
    %get3A_619 = vector.load %arg11[%get3A_617, %get3A_618] : memref<1x20480xf32, #tpu.memory_space<vmem>>, vector<1x1024xf32>
    %add3A_620 = vector.broadcast %get3A_13 : vector<128x1xf32> to vector<128x1024xf32>
    %add3A_621 = vector.broadcast %get3A_619 : vector<1x1024xf32> to vector<128x1024xf32>
    %add3A_622 = arith.addf %add3A_620, %add3A_621 : vector<128x1024xf32>
    %sub3A_623 = arith.subf %add3A_622, %mul3A_616 : vector<128x1024xf32>
    %add3A_624 = arith.constant 9.99999997E-7 : f32
    %add3A_625 = vector.broadcast %add3A_624 : f32 to vector<128x1024xf32>
    %add3A_626 = arith.addf %sub3A_623, %add3A_625 : vector<128x1024xf32>
    %div3A_627 = arith.divf %mul3A_616, %add3A_626 : vector<128x1024xf32>
    %reduce_max3A_628 = arith.constant dense<0xFF800000> : vector<128xf32>
    %reduce_max3A_629 = vector.multi_reduction <maximumf>, %div3A_627, %reduce_max3A_628 [1] : vector<128x1024xf32> to vector<128xf32>
    %broadcast_in_dim3A_630 = vector.shape_cast %reduce_max3A_629 : vector<128xf32> to vector<128x1xf32>
    %eq3A_631 = vector.broadcast %broadcast_in_dim3A_630 : vector<128x1xf32> to vector<128x1024xf32>
    %eq3A_632 = arith.cmpf oeq, %div3A_627, %eq3A_631 : vector<128x1024xf32>
    %jit3A_633 = arith.constant 1024 : i32
    %broadcast_in_dim3A_634 = vector.broadcast %jit3A_633 : i32 to vector<128x1024xi32>
    %select_n3A_635 = arith.select %eq3A_632, %iota3A_19, %broadcast_in_dim3A_634 : vector<128x1024xi1>, vector<128x1024xi32>
    %reduce_min3A_636 = arith.constant dense<2147483647> : vector<128xi32>
    %reduce_min3A_637 = vector.multi_reduction <minsi>, %select_n3A_635, %reduce_min3A_636 [1] : vector<128x1024xi32> to vector<128xi32>
    %broadcast_in_dim3A_638 = vector.shape_cast %reduce_min3A_637 : vector<128xi32> to vector<128x1xi32>
    %add3A_639 = arith.constant 7168 : i32
    %add3A_640 = vector.broadcast %add3A_639 : i32 to vector<128x1xi32>
    %add3A_641 = arith.addi %broadcast_in_dim3A_638, %add3A_640 : vector<128x1xi32>
    %gt3A_642 = arith.cmpf ogt, %broadcast_in_dim3A_630, %select_n3A_562 : vector<128x1xf32>
    %select_n3A_643 = arith.select %gt3A_642, %add3A_641, %select_n3A_561 : vector<128x1xi1>, vector<128x1xi32>
    %select_n3A_644 = arith.select %gt3A_642, %broadcast_in_dim3A_630, %select_n3A_562 : vector<128x1xi1>, vector<128x1xf32>
    %get3A_645 = arith.constant 0 : index
    %get3A_646 = arith.constant 7168 : index
    %get3A_647 = vector.load %arg12[%get3A_645, %get3A_646] : memref<1x20480xf32, #tpu.memory_space<vmem>>, vector<1x1024xf32>
    %gt3A_648 = vector.broadcast %get3A_647 : vector<1x1024xf32> to vector<128x1024xf32>
    %gt3A_649 = vector.broadcast %get3A_16 : vector<128x1xf32> to vector<128x1024xf32>
    %gt3A_650 = arith.cmpf ogt, %gt3A_648, %gt3A_649 : vector<128x1024xf32>
    %eq3A_651 = vector.broadcast %get3A_647 : vector<1x1024xf32> to vector<128x1024xf32>
    %eq3A_652 = vector.broadcast %get3A_16 : vector<128x1xf32> to vector<128x1024xf32>
    %eq3A_653 = arith.cmpf oeq, %eq3A_651, %eq3A_652 : vector<128x1024xf32>
    %sub3A_654 = arith.constant 7168 : i32
    %sub3A_655 = vector.broadcast %sub3A_654 : i32 to vector<128x1xi32>
    %sub3A_656 = arith.subi %add3A_18, %sub3A_655 : vector<128x1xi32>
    %lt3A_657 = vector.broadcast %sub3A_656 : vector<128x1xi32> to vector<128x1024xi32>
    %lt3A_658 = arith.cmpi slt, %iota3A_19, %lt3A_657 : vector<128x1024xi32>
    %and3A_659 = arith.andi %eq3A_653, %lt3A_658 : vector<128x1024xi1>
    %or3A_660 = arith.ori %gt3A_650, %and3A_659 : vector<128x1024xi1>
    %convert_element_type3A_661 = arith.extui %or3A_660 : vector<128x1024xi1> to vector<128x1024xi32>
    %reduce_sum3A_662 = arith.constant dense<0> : vector<128xi32>
    %reduce_sum3A_663 = vector.multi_reduction <add>, %convert_element_type3A_661, %reduce_sum3A_662 [1] : vector<128x1024xi32> to vector<128xi32>
    %broadcast_in_dim3A_664 = vector.shape_cast %reduce_sum3A_663 : vector<128xi32> to vector<128x1xi32>
    %add3A_665 = arith.addi %add3A_583, %broadcast_in_dim3A_664 : vector<128x1xi32>
    %get3A_666 = arith.constant 0 : index
    %get3A_667 = arith.constant 8192 : index
    %get3A_668 = vector.load %arg7[%get3A_666, %get3A_667] : memref<1x20480xf32, #tpu.memory_space<vmem>>, vector<1x1024xf32>
    %max3A_669 = vector.broadcast %get3A_1 : vector<128x1xf32> to vector<128x1024xf32>
    %max3A_670 = vector.broadcast %get3A_668 : vector<1x1024xf32> to vector<128x1024xf32>
    %max3A_671 = arith.maximumf %max3A_669, %max3A_670 : vector<128x1024xf32>
    %get3A_672 = arith.constant 0 : index
    %get3A_673 = arith.constant 8192 : index
    %get3A_674 = vector.load %arg8[%get3A_672, %get3A_673] : memref<1x20480xf32, #tpu.memory_space<vmem>>, vector<1x1024xf32>
    %max3A_675 = vector.broadcast %get3A_4 : vector<128x1xf32> to vector<128x1024xf32>
    %max3A_676 = vector.broadcast %get3A_674 : vector<1x1024xf32> to vector<128x1024xf32>
    %max3A_677 = arith.maximumf %max3A_675, %max3A_676 : vector<128x1024xf32>
    %get3A_678 = arith.constant 0 : index
    %get3A_679 = arith.constant 8192 : index
    %get3A_680 = vector.load %arg9[%get3A_678, %get3A_679] : memref<1x20480xf32, #tpu.memory_space<vmem>>, vector<1x1024xf32>
    %min3A_681 = vector.broadcast %get3A_7 : vector<128x1xf32> to vector<128x1024xf32>
    %min3A_682 = vector.broadcast %get3A_680 : vector<1x1024xf32> to vector<128x1024xf32>
    %min3A_683 = arith.minimumf %min3A_681, %min3A_682 : vector<128x1024xf32>
    %get3A_684 = arith.constant 0 : index
    %get3A_685 = arith.constant 8192 : index
    %get3A_686 = vector.load %arg10[%get3A_684, %get3A_685] : memref<1x20480xf32, #tpu.memory_space<vmem>>, vector<1x1024xf32>
    %min3A_687 = vector.broadcast %get3A_10 : vector<128x1xf32> to vector<128x1024xf32>
    %min3A_688 = vector.broadcast %get3A_686 : vector<1x1024xf32> to vector<128x1024xf32>
    %min3A_689 = arith.minimumf %min3A_687, %min3A_688 : vector<128x1024xf32>
    %sub3A_690 = arith.subf %min3A_683, %max3A_671 : vector<128x1024xf32>
    %max3A_691 = arith.constant 0.000000e+00 : f32
    %max3A_692 = vector.broadcast %max3A_691 : f32 to vector<128x1024xf32>
    %max3A_693 = arith.maximumf %sub3A_690, %max3A_692 : vector<128x1024xf32>
    %sub3A_694 = arith.subf %min3A_689, %max3A_677 : vector<128x1024xf32>
    %max3A_695 = arith.constant 0.000000e+00 : f32
    %max3A_696 = vector.broadcast %max3A_695 : f32 to vector<128x1024xf32>
    %max3A_697 = arith.maximumf %sub3A_694, %max3A_696 : vector<128x1024xf32>
    %mul3A_698 = arith.mulf %max3A_693, %max3A_697 : vector<128x1024xf32>
    %get3A_699 = arith.constant 0 : index
    %get3A_700 = arith.constant 8192 : index
    %get3A_701 = vector.load %arg11[%get3A_699, %get3A_700] : memref<1x20480xf32, #tpu.memory_space<vmem>>, vector<1x1024xf32>
    %add3A_702 = vector.broadcast %get3A_13 : vector<128x1xf32> to vector<128x1024xf32>
    %add3A_703 = vector.broadcast %get3A_701 : vector<1x1024xf32> to vector<128x1024xf32>
    %add3A_704 = arith.addf %add3A_702, %add3A_703 : vector<128x1024xf32>
    %sub3A_705 = arith.subf %add3A_704, %mul3A_698 : vector<128x1024xf32>
    %add3A_706 = arith.constant 9.99999997E-7 : f32
    %add3A_707 = vector.broadcast %add3A_706 : f32 to vector<128x1024xf32>
    %add3A_708 = arith.addf %sub3A_705, %add3A_707 : vector<128x1024xf32>
    %div3A_709 = arith.divf %mul3A_698, %add3A_708 : vector<128x1024xf32>
    %reduce_max3A_710 = arith.constant dense<0xFF800000> : vector<128xf32>
    %reduce_max3A_711 = vector.multi_reduction <maximumf>, %div3A_709, %reduce_max3A_710 [1] : vector<128x1024xf32> to vector<128xf32>
    %broadcast_in_dim3A_712 = vector.shape_cast %reduce_max3A_711 : vector<128xf32> to vector<128x1xf32>
    %eq3A_713 = vector.broadcast %broadcast_in_dim3A_712 : vector<128x1xf32> to vector<128x1024xf32>
    %eq3A_714 = arith.cmpf oeq, %div3A_709, %eq3A_713 : vector<128x1024xf32>
    %jit3A_715 = arith.constant 1024 : i32
    %broadcast_in_dim3A_716 = vector.broadcast %jit3A_715 : i32 to vector<128x1024xi32>
    %select_n3A_717 = arith.select %eq3A_714, %iota3A_19, %broadcast_in_dim3A_716 : vector<128x1024xi1>, vector<128x1024xi32>
    %reduce_min3A_718 = arith.constant dense<2147483647> : vector<128xi32>
    %reduce_min3A_719 = vector.multi_reduction <minsi>, %select_n3A_717, %reduce_min3A_718 [1] : vector<128x1024xi32> to vector<128xi32>
    %broadcast_in_dim3A_720 = vector.shape_cast %reduce_min3A_719 : vector<128xi32> to vector<128x1xi32>
    %add3A_721 = arith.constant 8192 : i32
    %add3A_722 = vector.broadcast %add3A_721 : i32 to vector<128x1xi32>
    %add3A_723 = arith.addi %broadcast_in_dim3A_720, %add3A_722 : vector<128x1xi32>
    %gt3A_724 = arith.cmpf ogt, %broadcast_in_dim3A_712, %select_n3A_644 : vector<128x1xf32>
    %select_n3A_725 = arith.select %gt3A_724, %add3A_723, %select_n3A_643 : vector<128x1xi1>, vector<128x1xi32>
    %select_n3A_726 = arith.select %gt3A_724, %broadcast_in_dim3A_712, %select_n3A_644 : vector<128x1xi1>, vector<128x1xf32>
    %get3A_727 = arith.constant 0 : index
    %get3A_728 = arith.constant 8192 : index
    %get3A_729 = vector.load %arg12[%get3A_727, %get3A_728] : memref<1x20480xf32, #tpu.memory_space<vmem>>, vector<1x1024xf32>
    %gt3A_730 = vector.broadcast %get3A_729 : vector<1x1024xf32> to vector<128x1024xf32>
    %gt3A_731 = vector.broadcast %get3A_16 : vector<128x1xf32> to vector<128x1024xf32>
    %gt3A_732 = arith.cmpf ogt, %gt3A_730, %gt3A_731 : vector<128x1024xf32>
    %eq3A_733 = vector.broadcast %get3A_729 : vector<1x1024xf32> to vector<128x1024xf32>
    %eq3A_734 = vector.broadcast %get3A_16 : vector<128x1xf32> to vector<128x1024xf32>
    %eq3A_735 = arith.cmpf oeq, %eq3A_733, %eq3A_734 : vector<128x1024xf32>
    %sub3A_736 = arith.constant 8192 : i32
    %sub3A_737 = vector.broadcast %sub3A_736 : i32 to vector<128x1xi32>
    %sub3A_738 = arith.subi %add3A_18, %sub3A_737 : vector<128x1xi32>
    %lt3A_739 = vector.broadcast %sub3A_738 : vector<128x1xi32> to vector<128x1024xi32>
    %lt3A_740 = arith.cmpi slt, %iota3A_19, %lt3A_739 : vector<128x1024xi32>
    %and3A_741 = arith.andi %eq3A_735, %lt3A_740 : vector<128x1024xi1>
    %or3A_742 = arith.ori %gt3A_732, %and3A_741 : vector<128x1024xi1>
    %convert_element_type3A_743 = arith.extui %or3A_742 : vector<128x1024xi1> to vector<128x1024xi32>
    %reduce_sum3A_744 = arith.constant dense<0> : vector<128xi32>
    %reduce_sum3A_745 = vector.multi_reduction <add>, %convert_element_type3A_743, %reduce_sum3A_744 [1] : vector<128x1024xi32> to vector<128xi32>
    %broadcast_in_dim3A_746 = vector.shape_cast %reduce_sum3A_745 : vector<128xi32> to vector<128x1xi32>
    %add3A_747 = arith.addi %add3A_665, %broadcast_in_dim3A_746 : vector<128x1xi32>
    %get3A_748 = arith.constant 0 : index
    %get3A_749 = arith.constant 9216 : index
    %get3A_750 = vector.load %arg7[%get3A_748, %get3A_749] : memref<1x20480xf32, #tpu.memory_space<vmem>>, vector<1x1024xf32>
    %max3A_751 = vector.broadcast %get3A_1 : vector<128x1xf32> to vector<128x1024xf32>
    %max3A_752 = vector.broadcast %get3A_750 : vector<1x1024xf32> to vector<128x1024xf32>
    %max3A_753 = arith.maximumf %max3A_751, %max3A_752 : vector<128x1024xf32>
    %get3A_754 = arith.constant 0 : index
    %get3A_755 = arith.constant 9216 : index
    %get3A_756 = vector.load %arg8[%get3A_754, %get3A_755] : memref<1x20480xf32, #tpu.memory_space<vmem>>, vector<1x1024xf32>
    %max3A_757 = vector.broadcast %get3A_4 : vector<128x1xf32> to vector<128x1024xf32>
    %max3A_758 = vector.broadcast %get3A_756 : vector<1x1024xf32> to vector<128x1024xf32>
    %max3A_759 = arith.maximumf %max3A_757, %max3A_758 : vector<128x1024xf32>
    %get3A_760 = arith.constant 0 : index
    %get3A_761 = arith.constant 9216 : index
    %get3A_762 = vector.load %arg9[%get3A_760, %get3A_761] : memref<1x20480xf32, #tpu.memory_space<vmem>>, vector<1x1024xf32>
    %min3A_763 = vector.broadcast %get3A_7 : vector<128x1xf32> to vector<128x1024xf32>
    %min3A_764 = vector.broadcast %get3A_762 : vector<1x1024xf32> to vector<128x1024xf32>
    %min3A_765 = arith.minimumf %min3A_763, %min3A_764 : vector<128x1024xf32>
    %get3A_766 = arith.constant 0 : index
    %get3A_767 = arith.constant 9216 : index
    %get3A_768 = vector.load %arg10[%get3A_766, %get3A_767] : memref<1x20480xf32, #tpu.memory_space<vmem>>, vector<1x1024xf32>
    %min3A_769 = vector.broadcast %get3A_10 : vector<128x1xf32> to vector<128x1024xf32>
    %min3A_770 = vector.broadcast %get3A_768 : vector<1x1024xf32> to vector<128x1024xf32>
    %min3A_771 = arith.minimumf %min3A_769, %min3A_770 : vector<128x1024xf32>
    %sub3A_772 = arith.subf %min3A_765, %max3A_753 : vector<128x1024xf32>
    %max3A_773 = arith.constant 0.000000e+00 : f32
    %max3A_774 = vector.broadcast %max3A_773 : f32 to vector<128x1024xf32>
    %max3A_775 = arith.maximumf %sub3A_772, %max3A_774 : vector<128x1024xf32>
    %sub3A_776 = arith.subf %min3A_771, %max3A_759 : vector<128x1024xf32>
    %max3A_777 = arith.constant 0.000000e+00 : f32
    %max3A_778 = vector.broadcast %max3A_777 : f32 to vector<128x1024xf32>
    %max3A_779 = arith.maximumf %sub3A_776, %max3A_778 : vector<128x1024xf32>
    %mul3A_780 = arith.mulf %max3A_775, %max3A_779 : vector<128x1024xf32>
    %get3A_781 = arith.constant 0 : index
    %get3A_782 = arith.constant 9216 : index
    %get3A_783 = vector.load %arg11[%get3A_781, %get3A_782] : memref<1x20480xf32, #tpu.memory_space<vmem>>, vector<1x1024xf32>
    %add3A_784 = vector.broadcast %get3A_13 : vector<128x1xf32> to vector<128x1024xf32>
    %add3A_785 = vector.broadcast %get3A_783 : vector<1x1024xf32> to vector<128x1024xf32>
    %add3A_786 = arith.addf %add3A_784, %add3A_785 : vector<128x1024xf32>
    %sub3A_787 = arith.subf %add3A_786, %mul3A_780 : vector<128x1024xf32>
    %add3A_788 = arith.constant 9.99999997E-7 : f32
    %add3A_789 = vector.broadcast %add3A_788 : f32 to vector<128x1024xf32>
    %add3A_790 = arith.addf %sub3A_787, %add3A_789 : vector<128x1024xf32>
    %div3A_791 = arith.divf %mul3A_780, %add3A_790 : vector<128x1024xf32>
    %reduce_max3A_792 = arith.constant dense<0xFF800000> : vector<128xf32>
    %reduce_max3A_793 = vector.multi_reduction <maximumf>, %div3A_791, %reduce_max3A_792 [1] : vector<128x1024xf32> to vector<128xf32>
    %broadcast_in_dim3A_794 = vector.shape_cast %reduce_max3A_793 : vector<128xf32> to vector<128x1xf32>
    %eq3A_795 = vector.broadcast %broadcast_in_dim3A_794 : vector<128x1xf32> to vector<128x1024xf32>
    %eq3A_796 = arith.cmpf oeq, %div3A_791, %eq3A_795 : vector<128x1024xf32>
    %jit3A_797 = arith.constant 1024 : i32
    %broadcast_in_dim3A_798 = vector.broadcast %jit3A_797 : i32 to vector<128x1024xi32>
    %select_n3A_799 = arith.select %eq3A_796, %iota3A_19, %broadcast_in_dim3A_798 : vector<128x1024xi1>, vector<128x1024xi32>
    %reduce_min3A_800 = arith.constant dense<2147483647> : vector<128xi32>
    %reduce_min3A_801 = vector.multi_reduction <minsi>, %select_n3A_799, %reduce_min3A_800 [1] : vector<128x1024xi32> to vector<128xi32>
    %broadcast_in_dim3A_802 = vector.shape_cast %reduce_min3A_801 : vector<128xi32> to vector<128x1xi32>
    %add3A_803 = arith.constant 9216 : i32
    %add3A_804 = vector.broadcast %add3A_803 : i32 to vector<128x1xi32>
    %add3A_805 = arith.addi %broadcast_in_dim3A_802, %add3A_804 : vector<128x1xi32>
    %gt3A_806 = arith.cmpf ogt, %broadcast_in_dim3A_794, %select_n3A_726 : vector<128x1xf32>
    %select_n3A_807 = arith.select %gt3A_806, %add3A_805, %select_n3A_725 : vector<128x1xi1>, vector<128x1xi32>
    %select_n3A_808 = arith.select %gt3A_806, %broadcast_in_dim3A_794, %select_n3A_726 : vector<128x1xi1>, vector<128x1xf32>
    %get3A_809 = arith.constant 0 : index
    %get3A_810 = arith.constant 9216 : index
    %get3A_811 = vector.load %arg12[%get3A_809, %get3A_810] : memref<1x20480xf32, #tpu.memory_space<vmem>>, vector<1x1024xf32>
    %gt3A_812 = vector.broadcast %get3A_811 : vector<1x1024xf32> to vector<128x1024xf32>
    %gt3A_813 = vector.broadcast %get3A_16 : vector<128x1xf32> to vector<128x1024xf32>
    %gt3A_814 = arith.cmpf ogt, %gt3A_812, %gt3A_813 : vector<128x1024xf32>
    %eq3A_815 = vector.broadcast %get3A_811 : vector<1x1024xf32> to vector<128x1024xf32>
    %eq3A_816 = vector.broadcast %get3A_16 : vector<128x1xf32> to vector<128x1024xf32>
    %eq3A_817 = arith.cmpf oeq, %eq3A_815, %eq3A_816 : vector<128x1024xf32>
    %sub3A_818 = arith.constant 9216 : i32
    %sub3A_819 = vector.broadcast %sub3A_818 : i32 to vector<128x1xi32>
    %sub3A_820 = arith.subi %add3A_18, %sub3A_819 : vector<128x1xi32>
    %lt3A_821 = vector.broadcast %sub3A_820 : vector<128x1xi32> to vector<128x1024xi32>
    %lt3A_822 = arith.cmpi slt, %iota3A_19, %lt3A_821 : vector<128x1024xi32>
    %and3A_823 = arith.andi %eq3A_817, %lt3A_822 : vector<128x1024xi1>
    %or3A_824 = arith.ori %gt3A_814, %and3A_823 : vector<128x1024xi1>
    %convert_element_type3A_825 = arith.extui %or3A_824 : vector<128x1024xi1> to vector<128x1024xi32>
    %reduce_sum3A_826 = arith.constant dense<0> : vector<128xi32>
    %reduce_sum3A_827 = vector.multi_reduction <add>, %convert_element_type3A_825, %reduce_sum3A_826 [1] : vector<128x1024xi32> to vector<128xi32>
    %broadcast_in_dim3A_828 = vector.shape_cast %reduce_sum3A_827 : vector<128xi32> to vector<128x1xi32>
    %add3A_829 = arith.addi %add3A_747, %broadcast_in_dim3A_828 : vector<128x1xi32>
    %get3A_830 = arith.constant 0 : index
    %get3A_831 = arith.constant 10240 : index
    %get3A_832 = vector.load %arg7[%get3A_830, %get3A_831] : memref<1x20480xf32, #tpu.memory_space<vmem>>, vector<1x1024xf32>
    %max3A_833 = vector.broadcast %get3A_1 : vector<128x1xf32> to vector<128x1024xf32>
    %max3A_834 = vector.broadcast %get3A_832 : vector<1x1024xf32> to vector<128x1024xf32>
    %max3A_835 = arith.maximumf %max3A_833, %max3A_834 : vector<128x1024xf32>
    %get3A_836 = arith.constant 0 : index
    %get3A_837 = arith.constant 10240 : index
    %get3A_838 = vector.load %arg8[%get3A_836, %get3A_837] : memref<1x20480xf32, #tpu.memory_space<vmem>>, vector<1x1024xf32>
    %max3A_839 = vector.broadcast %get3A_4 : vector<128x1xf32> to vector<128x1024xf32>
    %max3A_840 = vector.broadcast %get3A_838 : vector<1x1024xf32> to vector<128x1024xf32>
    %max3A_841 = arith.maximumf %max3A_839, %max3A_840 : vector<128x1024xf32>
    %get3A_842 = arith.constant 0 : index
    %get3A_843 = arith.constant 10240 : index
    %get3A_844 = vector.load %arg9[%get3A_842, %get3A_843] : memref<1x20480xf32, #tpu.memory_space<vmem>>, vector<1x1024xf32>
    %min3A_845 = vector.broadcast %get3A_7 : vector<128x1xf32> to vector<128x1024xf32>
    %min3A_846 = vector.broadcast %get3A_844 : vector<1x1024xf32> to vector<128x1024xf32>
    %min3A_847 = arith.minimumf %min3A_845, %min3A_846 : vector<128x1024xf32>
    %get3A_848 = arith.constant 0 : index
    %get3A_849 = arith.constant 10240 : index
    %get3A_850 = vector.load %arg10[%get3A_848, %get3A_849] : memref<1x20480xf32, #tpu.memory_space<vmem>>, vector<1x1024xf32>
    %min3A_851 = vector.broadcast %get3A_10 : vector<128x1xf32> to vector<128x1024xf32>
    %min3A_852 = vector.broadcast %get3A_850 : vector<1x1024xf32> to vector<128x1024xf32>
    %min3A_853 = arith.minimumf %min3A_851, %min3A_852 : vector<128x1024xf32>
    %sub3A_854 = arith.subf %min3A_847, %max3A_835 : vector<128x1024xf32>
    %max3A_855 = arith.constant 0.000000e+00 : f32
    %max3A_856 = vector.broadcast %max3A_855 : f32 to vector<128x1024xf32>
    %max3A_857 = arith.maximumf %sub3A_854, %max3A_856 : vector<128x1024xf32>
    %sub3A_858 = arith.subf %min3A_853, %max3A_841 : vector<128x1024xf32>
    %max3A_859 = arith.constant 0.000000e+00 : f32
    %max3A_860 = vector.broadcast %max3A_859 : f32 to vector<128x1024xf32>
    %max3A_861 = arith.maximumf %sub3A_858, %max3A_860 : vector<128x1024xf32>
    %mul3A_862 = arith.mulf %max3A_857, %max3A_861 : vector<128x1024xf32>
    %get3A_863 = arith.constant 0 : index
    %get3A_864 = arith.constant 10240 : index
    %get3A_865 = vector.load %arg11[%get3A_863, %get3A_864] : memref<1x20480xf32, #tpu.memory_space<vmem>>, vector<1x1024xf32>
    %add3A_866 = vector.broadcast %get3A_13 : vector<128x1xf32> to vector<128x1024xf32>
    %add3A_867 = vector.broadcast %get3A_865 : vector<1x1024xf32> to vector<128x1024xf32>
    %add3A_868 = arith.addf %add3A_866, %add3A_867 : vector<128x1024xf32>
    %sub3A_869 = arith.subf %add3A_868, %mul3A_862 : vector<128x1024xf32>
    %add3A_870 = arith.constant 9.99999997E-7 : f32
    %add3A_871 = vector.broadcast %add3A_870 : f32 to vector<128x1024xf32>
    %add3A_872 = arith.addf %sub3A_869, %add3A_871 : vector<128x1024xf32>
    %div3A_873 = arith.divf %mul3A_862, %add3A_872 : vector<128x1024xf32>
    %reduce_max3A_874 = arith.constant dense<0xFF800000> : vector<128xf32>
    %reduce_max3A_875 = vector.multi_reduction <maximumf>, %div3A_873, %reduce_max3A_874 [1] : vector<128x1024xf32> to vector<128xf32>
    %broadcast_in_dim3A_876 = vector.shape_cast %reduce_max3A_875 : vector<128xf32> to vector<128x1xf32>
    %eq3A_877 = vector.broadcast %broadcast_in_dim3A_876 : vector<128x1xf32> to vector<128x1024xf32>
    %eq3A_878 = arith.cmpf oeq, %div3A_873, %eq3A_877 : vector<128x1024xf32>
    %jit3A_879 = arith.constant 1024 : i32
    %broadcast_in_dim3A_880 = vector.broadcast %jit3A_879 : i32 to vector<128x1024xi32>
    %select_n3A_881 = arith.select %eq3A_878, %iota3A_19, %broadcast_in_dim3A_880 : vector<128x1024xi1>, vector<128x1024xi32>
    %reduce_min3A_882 = arith.constant dense<2147483647> : vector<128xi32>
    %reduce_min3A_883 = vector.multi_reduction <minsi>, %select_n3A_881, %reduce_min3A_882 [1] : vector<128x1024xi32> to vector<128xi32>
    %broadcast_in_dim3A_884 = vector.shape_cast %reduce_min3A_883 : vector<128xi32> to vector<128x1xi32>
    %add3A_885 = arith.constant 10240 : i32
    %add3A_886 = vector.broadcast %add3A_885 : i32 to vector<128x1xi32>
    %add3A_887 = arith.addi %broadcast_in_dim3A_884, %add3A_886 : vector<128x1xi32>
    %gt3A_888 = arith.cmpf ogt, %broadcast_in_dim3A_876, %select_n3A_808 : vector<128x1xf32>
    %select_n3A_889 = arith.select %gt3A_888, %add3A_887, %select_n3A_807 : vector<128x1xi1>, vector<128x1xi32>
    %select_n3A_890 = arith.select %gt3A_888, %broadcast_in_dim3A_876, %select_n3A_808 : vector<128x1xi1>, vector<128x1xf32>
    %get3A_891 = arith.constant 0 : index
    %get3A_892 = arith.constant 10240 : index
    %get3A_893 = vector.load %arg12[%get3A_891, %get3A_892] : memref<1x20480xf32, #tpu.memory_space<vmem>>, vector<1x1024xf32>
    %gt3A_894 = vector.broadcast %get3A_893 : vector<1x1024xf32> to vector<128x1024xf32>
    %gt3A_895 = vector.broadcast %get3A_16 : vector<128x1xf32> to vector<128x1024xf32>
    %gt3A_896 = arith.cmpf ogt, %gt3A_894, %gt3A_895 : vector<128x1024xf32>
    %eq3A_897 = vector.broadcast %get3A_893 : vector<1x1024xf32> to vector<128x1024xf32>
    %eq3A_898 = vector.broadcast %get3A_16 : vector<128x1xf32> to vector<128x1024xf32>
    %eq3A_899 = arith.cmpf oeq, %eq3A_897, %eq3A_898 : vector<128x1024xf32>
    %sub3A_900 = arith.constant 10240 : i32
    %sub3A_901 = vector.broadcast %sub3A_900 : i32 to vector<128x1xi32>
    %sub3A_902 = arith.subi %add3A_18, %sub3A_901 : vector<128x1xi32>
    %lt3A_903 = vector.broadcast %sub3A_902 : vector<128x1xi32> to vector<128x1024xi32>
    %lt3A_904 = arith.cmpi slt, %iota3A_19, %lt3A_903 : vector<128x1024xi32>
    %and3A_905 = arith.andi %eq3A_899, %lt3A_904 : vector<128x1024xi1>
    %or3A_906 = arith.ori %gt3A_896, %and3A_905 : vector<128x1024xi1>
    %convert_element_type3A_907 = arith.extui %or3A_906 : vector<128x1024xi1> to vector<128x1024xi32>
    %reduce_sum3A_908 = arith.constant dense<0> : vector<128xi32>
    %reduce_sum3A_909 = vector.multi_reduction <add>, %convert_element_type3A_907, %reduce_sum3A_908 [1] : vector<128x1024xi32> to vector<128xi32>
    %broadcast_in_dim3A_910 = vector.shape_cast %reduce_sum3A_909 : vector<128xi32> to vector<128x1xi32>
    %add3A_911 = arith.addi %add3A_829, %broadcast_in_dim3A_910 : vector<128x1xi32>
    %get3A_912 = arith.constant 0 : index
    %get3A_913 = arith.constant 11264 : index
    %get3A_914 = vector.load %arg7[%get3A_912, %get3A_913] : memref<1x20480xf32, #tpu.memory_space<vmem>>, vector<1x1024xf32>
    %max3A_915 = vector.broadcast %get3A_1 : vector<128x1xf32> to vector<128x1024xf32>
    %max3A_916 = vector.broadcast %get3A_914 : vector<1x1024xf32> to vector<128x1024xf32>
    %max3A_917 = arith.maximumf %max3A_915, %max3A_916 : vector<128x1024xf32>
    %get3A_918 = arith.constant 0 : index
    %get3A_919 = arith.constant 11264 : index
    %get3A_920 = vector.load %arg8[%get3A_918, %get3A_919] : memref<1x20480xf32, #tpu.memory_space<vmem>>, vector<1x1024xf32>
    %max3A_921 = vector.broadcast %get3A_4 : vector<128x1xf32> to vector<128x1024xf32>
    %max3A_922 = vector.broadcast %get3A_920 : vector<1x1024xf32> to vector<128x1024xf32>
    %max3A_923 = arith.maximumf %max3A_921, %max3A_922 : vector<128x1024xf32>
    %get3A_924 = arith.constant 0 : index
    %get3A_925 = arith.constant 11264 : index
    %get3A_926 = vector.load %arg9[%get3A_924, %get3A_925] : memref<1x20480xf32, #tpu.memory_space<vmem>>, vector<1x1024xf32>
    %min3A_927 = vector.broadcast %get3A_7 : vector<128x1xf32> to vector<128x1024xf32>
    %min3A_928 = vector.broadcast %get3A_926 : vector<1x1024xf32> to vector<128x1024xf32>
    %min3A_929 = arith.minimumf %min3A_927, %min3A_928 : vector<128x1024xf32>
    %get3A_930 = arith.constant 0 : index
    %get3A_931 = arith.constant 11264 : index
    %get3A_932 = vector.load %arg10[%get3A_930, %get3A_931] : memref<1x20480xf32, #tpu.memory_space<vmem>>, vector<1x1024xf32>
    %min3A_933 = vector.broadcast %get3A_10 : vector<128x1xf32> to vector<128x1024xf32>
    %min3A_934 = vector.broadcast %get3A_932 : vector<1x1024xf32> to vector<128x1024xf32>
    %min3A_935 = arith.minimumf %min3A_933, %min3A_934 : vector<128x1024xf32>
    %sub3A_936 = arith.subf %min3A_929, %max3A_917 : vector<128x1024xf32>
    %max3A_937 = arith.constant 0.000000e+00 : f32
    %max3A_938 = vector.broadcast %max3A_937 : f32 to vector<128x1024xf32>
    %max3A_939 = arith.maximumf %sub3A_936, %max3A_938 : vector<128x1024xf32>
    %sub3A_940 = arith.subf %min3A_935, %max3A_923 : vector<128x1024xf32>
    %max3A_941 = arith.constant 0.000000e+00 : f32
    %max3A_942 = vector.broadcast %max3A_941 : f32 to vector<128x1024xf32>
    %max3A_943 = arith.maximumf %sub3A_940, %max3A_942 : vector<128x1024xf32>
    %mul3A_944 = arith.mulf %max3A_939, %max3A_943 : vector<128x1024xf32>
    %get3A_945 = arith.constant 0 : index
    %get3A_946 = arith.constant 11264 : index
    %get3A_947 = vector.load %arg11[%get3A_945, %get3A_946] : memref<1x20480xf32, #tpu.memory_space<vmem>>, vector<1x1024xf32>
    %add3A_948 = vector.broadcast %get3A_13 : vector<128x1xf32> to vector<128x1024xf32>
    %add3A_949 = vector.broadcast %get3A_947 : vector<1x1024xf32> to vector<128x1024xf32>
    %add3A_950 = arith.addf %add3A_948, %add3A_949 : vector<128x1024xf32>
    %sub3A_951 = arith.subf %add3A_950, %mul3A_944 : vector<128x1024xf32>
    %add3A_952 = arith.constant 9.99999997E-7 : f32
    %add3A_953 = vector.broadcast %add3A_952 : f32 to vector<128x1024xf32>
    %add3A_954 = arith.addf %sub3A_951, %add3A_953 : vector<128x1024xf32>
    %div3A_955 = arith.divf %mul3A_944, %add3A_954 : vector<128x1024xf32>
    %reduce_max3A_956 = arith.constant dense<0xFF800000> : vector<128xf32>
    %reduce_max3A_957 = vector.multi_reduction <maximumf>, %div3A_955, %reduce_max3A_956 [1] : vector<128x1024xf32> to vector<128xf32>
    %broadcast_in_dim3A_958 = vector.shape_cast %reduce_max3A_957 : vector<128xf32> to vector<128x1xf32>
    %eq3A_959 = vector.broadcast %broadcast_in_dim3A_958 : vector<128x1xf32> to vector<128x1024xf32>
    %eq3A_960 = arith.cmpf oeq, %div3A_955, %eq3A_959 : vector<128x1024xf32>
    %jit3A_961 = arith.constant 1024 : i32
    %broadcast_in_dim3A_962 = vector.broadcast %jit3A_961 : i32 to vector<128x1024xi32>
    %select_n3A_963 = arith.select %eq3A_960, %iota3A_19, %broadcast_in_dim3A_962 : vector<128x1024xi1>, vector<128x1024xi32>
    %reduce_min3A_964 = arith.constant dense<2147483647> : vector<128xi32>
    %reduce_min3A_965 = vector.multi_reduction <minsi>, %select_n3A_963, %reduce_min3A_964 [1] : vector<128x1024xi32> to vector<128xi32>
    %broadcast_in_dim3A_966 = vector.shape_cast %reduce_min3A_965 : vector<128xi32> to vector<128x1xi32>
    %add3A_967 = arith.constant 11264 : i32
    %add3A_968 = vector.broadcast %add3A_967 : i32 to vector<128x1xi32>
    %add3A_969 = arith.addi %broadcast_in_dim3A_966, %add3A_968 : vector<128x1xi32>
    %gt3A_970 = arith.cmpf ogt, %broadcast_in_dim3A_958, %select_n3A_890 : vector<128x1xf32>
    %select_n3A_971 = arith.select %gt3A_970, %add3A_969, %select_n3A_889 : vector<128x1xi1>, vector<128x1xi32>
    %select_n3A_972 = arith.select %gt3A_970, %broadcast_in_dim3A_958, %select_n3A_890 : vector<128x1xi1>, vector<128x1xf32>
    %get3A_973 = arith.constant 0 : index
    %get3A_974 = arith.constant 11264 : index
    %get3A_975 = vector.load %arg12[%get3A_973, %get3A_974] : memref<1x20480xf32, #tpu.memory_space<vmem>>, vector<1x1024xf32>
    %gt3A_976 = vector.broadcast %get3A_975 : vector<1x1024xf32> to vector<128x1024xf32>
    %gt3A_977 = vector.broadcast %get3A_16 : vector<128x1xf32> to vector<128x1024xf32>
    %gt3A_978 = arith.cmpf ogt, %gt3A_976, %gt3A_977 : vector<128x1024xf32>
    %eq3A_979 = vector.broadcast %get3A_975 : vector<1x1024xf32> to vector<128x1024xf32>
    %eq3A_980 = vector.broadcast %get3A_16 : vector<128x1xf32> to vector<128x1024xf32>
    %eq3A_981 = arith.cmpf oeq, %eq3A_979, %eq3A_980 : vector<128x1024xf32>
    %sub3A_982 = arith.constant 11264 : i32
    %sub3A_983 = vector.broadcast %sub3A_982 : i32 to vector<128x1xi32>
    %sub3A_984 = arith.subi %add3A_18, %sub3A_983 : vector<128x1xi32>
    %lt3A_985 = vector.broadcast %sub3A_984 : vector<128x1xi32> to vector<128x1024xi32>
    %lt3A_986 = arith.cmpi slt, %iota3A_19, %lt3A_985 : vector<128x1024xi32>
    %and3A_987 = arith.andi %eq3A_981, %lt3A_986 : vector<128x1024xi1>
    %or3A_988 = arith.ori %gt3A_978, %and3A_987 : vector<128x1024xi1>
    %convert_element_type3A_989 = arith.extui %or3A_988 : vector<128x1024xi1> to vector<128x1024xi32>
    %reduce_sum3A_990 = arith.constant dense<0> : vector<128xi32>
    %reduce_sum3A_991 = vector.multi_reduction <add>, %convert_element_type3A_989, %reduce_sum3A_990 [1] : vector<128x1024xi32> to vector<128xi32>
    %broadcast_in_dim3A_992 = vector.shape_cast %reduce_sum3A_991 : vector<128xi32> to vector<128x1xi32>
    %add3A_993 = arith.addi %add3A_911, %broadcast_in_dim3A_992 : vector<128x1xi32>
    %get3A_994 = arith.constant 0 : index
    %get3A_995 = arith.constant 12288 : index
    %get3A_996 = vector.load %arg7[%get3A_994, %get3A_995] : memref<1x20480xf32, #tpu.memory_space<vmem>>, vector<1x1024xf32>
    %max3A_997 = vector.broadcast %get3A_1 : vector<128x1xf32> to vector<128x1024xf32>
    %max3A_998 = vector.broadcast %get3A_996 : vector<1x1024xf32> to vector<128x1024xf32>
    %max3A_999 = arith.maximumf %max3A_997, %max3A_998 : vector<128x1024xf32>
    %get3A_1000 = arith.constant 0 : index
    %get3A_1001 = arith.constant 12288 : index
    %get3A_1002 = vector.load %arg8[%get3A_1000, %get3A_1001] : memref<1x20480xf32, #tpu.memory_space<vmem>>, vector<1x1024xf32>
    %max3A_1003 = vector.broadcast %get3A_4 : vector<128x1xf32> to vector<128x1024xf32>
    %max3A_1004 = vector.broadcast %get3A_1002 : vector<1x1024xf32> to vector<128x1024xf32>
    %max3A_1005 = arith.maximumf %max3A_1003, %max3A_1004 : vector<128x1024xf32>
    %get3A_1006 = arith.constant 0 : index
    %get3A_1007 = arith.constant 12288 : index
    %get3A_1008 = vector.load %arg9[%get3A_1006, %get3A_1007] : memref<1x20480xf32, #tpu.memory_space<vmem>>, vector<1x1024xf32>
    %min3A_1009 = vector.broadcast %get3A_7 : vector<128x1xf32> to vector<128x1024xf32>
    %min3A_1010 = vector.broadcast %get3A_1008 : vector<1x1024xf32> to vector<128x1024xf32>
    %min3A_1011 = arith.minimumf %min3A_1009, %min3A_1010 : vector<128x1024xf32>
    %get3A_1012 = arith.constant 0 : index
    %get3A_1013 = arith.constant 12288 : index
    %get3A_1014 = vector.load %arg10[%get3A_1012, %get3A_1013] : memref<1x20480xf32, #tpu.memory_space<vmem>>, vector<1x1024xf32>
    %min3A_1015 = vector.broadcast %get3A_10 : vector<128x1xf32> to vector<128x1024xf32>
    %min3A_1016 = vector.broadcast %get3A_1014 : vector<1x1024xf32> to vector<128x1024xf32>
    %min3A_1017 = arith.minimumf %min3A_1015, %min3A_1016 : vector<128x1024xf32>
    %sub3A_1018 = arith.subf %min3A_1011, %max3A_999 : vector<128x1024xf32>
    %max3A_1019 = arith.constant 0.000000e+00 : f32
    %max3A_1020 = vector.broadcast %max3A_1019 : f32 to vector<128x1024xf32>
    %max3A_1021 = arith.maximumf %sub3A_1018, %max3A_1020 : vector<128x1024xf32>
    %sub3A_1022 = arith.subf %min3A_1017, %max3A_1005 : vector<128x1024xf32>
    %max3A_1023 = arith.constant 0.000000e+00 : f32
    %max3A_1024 = vector.broadcast %max3A_1023 : f32 to vector<128x1024xf32>
    %max3A_1025 = arith.maximumf %sub3A_1022, %max3A_1024 : vector<128x1024xf32>
    %mul3A_1026 = arith.mulf %max3A_1021, %max3A_1025 : vector<128x1024xf32>
    %get3A_1027 = arith.constant 0 : index
    %get3A_1028 = arith.constant 12288 : index
    %get3A_1029 = vector.load %arg11[%get3A_1027, %get3A_1028] : memref<1x20480xf32, #tpu.memory_space<vmem>>, vector<1x1024xf32>
    %add3A_1030 = vector.broadcast %get3A_13 : vector<128x1xf32> to vector<128x1024xf32>
    %add3A_1031 = vector.broadcast %get3A_1029 : vector<1x1024xf32> to vector<128x1024xf32>
    %add3A_1032 = arith.addf %add3A_1030, %add3A_1031 : vector<128x1024xf32>
    %sub3A_1033 = arith.subf %add3A_1032, %mul3A_1026 : vector<128x1024xf32>
    %add3A_1034 = arith.constant 9.99999997E-7 : f32
    %add3A_1035 = vector.broadcast %add3A_1034 : f32 to vector<128x1024xf32>
    %add3A_1036 = arith.addf %sub3A_1033, %add3A_1035 : vector<128x1024xf32>
    %div3A_1037 = arith.divf %mul3A_1026, %add3A_1036 : vector<128x1024xf32>
    %reduce_max3A_1038 = arith.constant dense<0xFF800000> : vector<128xf32>
    %reduce_max3A_1039 = vector.multi_reduction <maximumf>, %div3A_1037, %reduce_max3A_1038 [1] : vector<128x1024xf32> to vector<128xf32>
    %broadcast_in_dim3A_1040 = vector.shape_cast %reduce_max3A_1039 : vector<128xf32> to vector<128x1xf32>
    %eq3A_1041 = vector.broadcast %broadcast_in_dim3A_1040 : vector<128x1xf32> to vector<128x1024xf32>
    %eq3A_1042 = arith.cmpf oeq, %div3A_1037, %eq3A_1041 : vector<128x1024xf32>
    %jit3A_1043 = arith.constant 1024 : i32
    %broadcast_in_dim3A_1044 = vector.broadcast %jit3A_1043 : i32 to vector<128x1024xi32>
    %select_n3A_1045 = arith.select %eq3A_1042, %iota3A_19, %broadcast_in_dim3A_1044 : vector<128x1024xi1>, vector<128x1024xi32>
    %reduce_min3A_1046 = arith.constant dense<2147483647> : vector<128xi32>
    %reduce_min3A_1047 = vector.multi_reduction <minsi>, %select_n3A_1045, %reduce_min3A_1046 [1] : vector<128x1024xi32> to vector<128xi32>
    %broadcast_in_dim3A_1048 = vector.shape_cast %reduce_min3A_1047 : vector<128xi32> to vector<128x1xi32>
    %add3A_1049 = arith.constant 12288 : i32
    %add3A_1050 = vector.broadcast %add3A_1049 : i32 to vector<128x1xi32>
    %add3A_1051 = arith.addi %broadcast_in_dim3A_1048, %add3A_1050 : vector<128x1xi32>
    %gt3A_1052 = arith.cmpf ogt, %broadcast_in_dim3A_1040, %select_n3A_972 : vector<128x1xf32>
    %select_n3A_1053 = arith.select %gt3A_1052, %add3A_1051, %select_n3A_971 : vector<128x1xi1>, vector<128x1xi32>
    %select_n3A_1054 = arith.select %gt3A_1052, %broadcast_in_dim3A_1040, %select_n3A_972 : vector<128x1xi1>, vector<128x1xf32>
    %get3A_1055 = arith.constant 0 : index
    %get3A_1056 = arith.constant 12288 : index
    %get3A_1057 = vector.load %arg12[%get3A_1055, %get3A_1056] : memref<1x20480xf32, #tpu.memory_space<vmem>>, vector<1x1024xf32>
    %gt3A_1058 = vector.broadcast %get3A_1057 : vector<1x1024xf32> to vector<128x1024xf32>
    %gt3A_1059 = vector.broadcast %get3A_16 : vector<128x1xf32> to vector<128x1024xf32>
    %gt3A_1060 = arith.cmpf ogt, %gt3A_1058, %gt3A_1059 : vector<128x1024xf32>
    %eq3A_1061 = vector.broadcast %get3A_1057 : vector<1x1024xf32> to vector<128x1024xf32>
    %eq3A_1062 = vector.broadcast %get3A_16 : vector<128x1xf32> to vector<128x1024xf32>
    %eq3A_1063 = arith.cmpf oeq, %eq3A_1061, %eq3A_1062 : vector<128x1024xf32>
    %sub3A_1064 = arith.constant 12288 : i32
    %sub3A_1065 = vector.broadcast %sub3A_1064 : i32 to vector<128x1xi32>
    %sub3A_1066 = arith.subi %add3A_18, %sub3A_1065 : vector<128x1xi32>
    %lt3A_1067 = vector.broadcast %sub3A_1066 : vector<128x1xi32> to vector<128x1024xi32>
    %lt3A_1068 = arith.cmpi slt, %iota3A_19, %lt3A_1067 : vector<128x1024xi32>
    %and3A_1069 = arith.andi %eq3A_1063, %lt3A_1068 : vector<128x1024xi1>
    %or3A_1070 = arith.ori %gt3A_1060, %and3A_1069 : vector<128x1024xi1>
    %convert_element_type3A_1071 = arith.extui %or3A_1070 : vector<128x1024xi1> to vector<128x1024xi32>
    %reduce_sum3A_1072 = arith.constant dense<0> : vector<128xi32>
    %reduce_sum3A_1073 = vector.multi_reduction <add>, %convert_element_type3A_1071, %reduce_sum3A_1072 [1] : vector<128x1024xi32> to vector<128xi32>
    %broadcast_in_dim3A_1074 = vector.shape_cast %reduce_sum3A_1073 : vector<128xi32> to vector<128x1xi32>
    %add3A_1075 = arith.addi %add3A_993, %broadcast_in_dim3A_1074 : vector<128x1xi32>
    %get3A_1076 = arith.constant 0 : index
    %get3A_1077 = arith.constant 13312 : index
    %get3A_1078 = vector.load %arg7[%get3A_1076, %get3A_1077] : memref<1x20480xf32, #tpu.memory_space<vmem>>, vector<1x1024xf32>
    %max3A_1079 = vector.broadcast %get3A_1 : vector<128x1xf32> to vector<128x1024xf32>
    %max3A_1080 = vector.broadcast %get3A_1078 : vector<1x1024xf32> to vector<128x1024xf32>
    %max3A_1081 = arith.maximumf %max3A_1079, %max3A_1080 : vector<128x1024xf32>
    %get3A_1082 = arith.constant 0 : index
    %get3A_1083 = arith.constant 13312 : index
    %get3A_1084 = vector.load %arg8[%get3A_1082, %get3A_1083] : memref<1x20480xf32, #tpu.memory_space<vmem>>, vector<1x1024xf32>
    %max3A_1085 = vector.broadcast %get3A_4 : vector<128x1xf32> to vector<128x1024xf32>
    %max3A_1086 = vector.broadcast %get3A_1084 : vector<1x1024xf32> to vector<128x1024xf32>
    %max3A_1087 = arith.maximumf %max3A_1085, %max3A_1086 : vector<128x1024xf32>
    %get3A_1088 = arith.constant 0 : index
    %get3A_1089 = arith.constant 13312 : index
    %get3A_1090 = vector.load %arg9[%get3A_1088, %get3A_1089] : memref<1x20480xf32, #tpu.memory_space<vmem>>, vector<1x1024xf32>
    %min3A_1091 = vector.broadcast %get3A_7 : vector<128x1xf32> to vector<128x1024xf32>
    %min3A_1092 = vector.broadcast %get3A_1090 : vector<1x1024xf32> to vector<128x1024xf32>
    %min3A_1093 = arith.minimumf %min3A_1091, %min3A_1092 : vector<128x1024xf32>
    %get3A_1094 = arith.constant 0 : index
    %get3A_1095 = arith.constant 13312 : index
    %get3A_1096 = vector.load %arg10[%get3A_1094, %get3A_1095] : memref<1x20480xf32, #tpu.memory_space<vmem>>, vector<1x1024xf32>
    %min3A_1097 = vector.broadcast %get3A_10 : vector<128x1xf32> to vector<128x1024xf32>
    %min3A_1098 = vector.broadcast %get3A_1096 : vector<1x1024xf32> to vector<128x1024xf32>
    %min3A_1099 = arith.minimumf %min3A_1097, %min3A_1098 : vector<128x1024xf32>
    %sub3A_1100 = arith.subf %min3A_1093, %max3A_1081 : vector<128x1024xf32>
    %max3A_1101 = arith.constant 0.000000e+00 : f32
    %max3A_1102 = vector.broadcast %max3A_1101 : f32 to vector<128x1024xf32>
    %max3A_1103 = arith.maximumf %sub3A_1100, %max3A_1102 : vector<128x1024xf32>
    %sub3A_1104 = arith.subf %min3A_1099, %max3A_1087 : vector<128x1024xf32>
    %max3A_1105 = arith.constant 0.000000e+00 : f32
    %max3A_1106 = vector.broadcast %max3A_1105 : f32 to vector<128x1024xf32>
    %max3A_1107 = arith.maximumf %sub3A_1104, %max3A_1106 : vector<128x1024xf32>
    %mul3A_1108 = arith.mulf %max3A_1103, %max3A_1107 : vector<128x1024xf32>
    %get3A_1109 = arith.constant 0 : index
    %get3A_1110 = arith.constant 13312 : index
    %get3A_1111 = vector.load %arg11[%get3A_1109, %get3A_1110] : memref<1x20480xf32, #tpu.memory_space<vmem>>, vector<1x1024xf32>
    %add3A_1112 = vector.broadcast %get3A_13 : vector<128x1xf32> to vector<128x1024xf32>
    %add3A_1113 = vector.broadcast %get3A_1111 : vector<1x1024xf32> to vector<128x1024xf32>
    %add3A_1114 = arith.addf %add3A_1112, %add3A_1113 : vector<128x1024xf32>
    %sub3A_1115 = arith.subf %add3A_1114, %mul3A_1108 : vector<128x1024xf32>
    %add3A_1116 = arith.constant 9.99999997E-7 : f32
    %add3A_1117 = vector.broadcast %add3A_1116 : f32 to vector<128x1024xf32>
    %add3A_1118 = arith.addf %sub3A_1115, %add3A_1117 : vector<128x1024xf32>
    %div3A_1119 = arith.divf %mul3A_1108, %add3A_1118 : vector<128x1024xf32>
    %reduce_max3A_1120 = arith.constant dense<0xFF800000> : vector<128xf32>
    %reduce_max3A_1121 = vector.multi_reduction <maximumf>, %div3A_1119, %reduce_max3A_1120 [1] : vector<128x1024xf32> to vector<128xf32>
    %broadcast_in_dim3A_1122 = vector.shape_cast %reduce_max3A_1121 : vector<128xf32> to vector<128x1xf32>
    %eq3A_1123 = vector.broadcast %broadcast_in_dim3A_1122 : vector<128x1xf32> to vector<128x1024xf32>
    %eq3A_1124 = arith.cmpf oeq, %div3A_1119, %eq3A_1123 : vector<128x1024xf32>
    %jit3A_1125 = arith.constant 1024 : i32
    %broadcast_in_dim3A_1126 = vector.broadcast %jit3A_1125 : i32 to vector<128x1024xi32>
    %select_n3A_1127 = arith.select %eq3A_1124, %iota3A_19, %broadcast_in_dim3A_1126 : vector<128x1024xi1>, vector<128x1024xi32>
    %reduce_min3A_1128 = arith.constant dense<2147483647> : vector<128xi32>
    %reduce_min3A_1129 = vector.multi_reduction <minsi>, %select_n3A_1127, %reduce_min3A_1128 [1] : vector<128x1024xi32> to vector<128xi32>
    %broadcast_in_dim3A_1130 = vector.shape_cast %reduce_min3A_1129 : vector<128xi32> to vector<128x1xi32>
    %add3A_1131 = arith.constant 13312 : i32
    %add3A_1132 = vector.broadcast %add3A_1131 : i32 to vector<128x1xi32>
    %add3A_1133 = arith.addi %broadcast_in_dim3A_1130, %add3A_1132 : vector<128x1xi32>
    %gt3A_1134 = arith.cmpf ogt, %broadcast_in_dim3A_1122, %select_n3A_1054 : vector<128x1xf32>
    %select_n3A_1135 = arith.select %gt3A_1134, %add3A_1133, %select_n3A_1053 : vector<128x1xi1>, vector<128x1xi32>
    %select_n3A_1136 = arith.select %gt3A_1134, %broadcast_in_dim3A_1122, %select_n3A_1054 : vector<128x1xi1>, vector<128x1xf32>
    %get3A_1137 = arith.constant 0 : index
    %get3A_1138 = arith.constant 13312 : index
    %get3A_1139 = vector.load %arg12[%get3A_1137, %get3A_1138] : memref<1x20480xf32, #tpu.memory_space<vmem>>, vector<1x1024xf32>
    %gt3A_1140 = vector.broadcast %get3A_1139 : vector<1x1024xf32> to vector<128x1024xf32>
    %gt3A_1141 = vector.broadcast %get3A_16 : vector<128x1xf32> to vector<128x1024xf32>
    %gt3A_1142 = arith.cmpf ogt, %gt3A_1140, %gt3A_1141 : vector<128x1024xf32>
    %eq3A_1143 = vector.broadcast %get3A_1139 : vector<1x1024xf32> to vector<128x1024xf32>
    %eq3A_1144 = vector.broadcast %get3A_16 : vector<128x1xf32> to vector<128x1024xf32>
    %eq3A_1145 = arith.cmpf oeq, %eq3A_1143, %eq3A_1144 : vector<128x1024xf32>
    %sub3A_1146 = arith.constant 13312 : i32
    %sub3A_1147 = vector.broadcast %sub3A_1146 : i32 to vector<128x1xi32>
    %sub3A_1148 = arith.subi %add3A_18, %sub3A_1147 : vector<128x1xi32>
    %lt3A_1149 = vector.broadcast %sub3A_1148 : vector<128x1xi32> to vector<128x1024xi32>
    %lt3A_1150 = arith.cmpi slt, %iota3A_19, %lt3A_1149 : vector<128x1024xi32>
    %and3A_1151 = arith.andi %eq3A_1145, %lt3A_1150 : vector<128x1024xi1>
    %or3A_1152 = arith.ori %gt3A_1142, %and3A_1151 : vector<128x1024xi1>
    %convert_element_type3A_1153 = arith.extui %or3A_1152 : vector<128x1024xi1> to vector<128x1024xi32>
    %reduce_sum3A_1154 = arith.constant dense<0> : vector<128xi32>
    %reduce_sum3A_1155 = vector.multi_reduction <add>, %convert_element_type3A_1153, %reduce_sum3A_1154 [1] : vector<128x1024xi32> to vector<128xi32>
    %broadcast_in_dim3A_1156 = vector.shape_cast %reduce_sum3A_1155 : vector<128xi32> to vector<128x1xi32>
    %add3A_1157 = arith.addi %add3A_1075, %broadcast_in_dim3A_1156 : vector<128x1xi32>
    %get3A_1158 = arith.constant 0 : index
    %get3A_1159 = arith.constant 14336 : index
    %get3A_1160 = vector.load %arg7[%get3A_1158, %get3A_1159] : memref<1x20480xf32, #tpu.memory_space<vmem>>, vector<1x1024xf32>
    %max3A_1161 = vector.broadcast %get3A_1 : vector<128x1xf32> to vector<128x1024xf32>
    %max3A_1162 = vector.broadcast %get3A_1160 : vector<1x1024xf32> to vector<128x1024xf32>
    %max3A_1163 = arith.maximumf %max3A_1161, %max3A_1162 : vector<128x1024xf32>
    %get3A_1164 = arith.constant 0 : index
    %get3A_1165 = arith.constant 14336 : index
    %get3A_1166 = vector.load %arg8[%get3A_1164, %get3A_1165] : memref<1x20480xf32, #tpu.memory_space<vmem>>, vector<1x1024xf32>
    %max3A_1167 = vector.broadcast %get3A_4 : vector<128x1xf32> to vector<128x1024xf32>
    %max3A_1168 = vector.broadcast %get3A_1166 : vector<1x1024xf32> to vector<128x1024xf32>
    %max3A_1169 = arith.maximumf %max3A_1167, %max3A_1168 : vector<128x1024xf32>
    %get3A_1170 = arith.constant 0 : index
    %get3A_1171 = arith.constant 14336 : index
    %get3A_1172 = vector.load %arg9[%get3A_1170, %get3A_1171] : memref<1x20480xf32, #tpu.memory_space<vmem>>, vector<1x1024xf32>
    %min3A_1173 = vector.broadcast %get3A_7 : vector<128x1xf32> to vector<128x1024xf32>
    %min3A_1174 = vector.broadcast %get3A_1172 : vector<1x1024xf32> to vector<128x1024xf32>
    %min3A_1175 = arith.minimumf %min3A_1173, %min3A_1174 : vector<128x1024xf32>
    %get3A_1176 = arith.constant 0 : index
    %get3A_1177 = arith.constant 14336 : index
    %get3A_1178 = vector.load %arg10[%get3A_1176, %get3A_1177] : memref<1x20480xf32, #tpu.memory_space<vmem>>, vector<1x1024xf32>
    %min3A_1179 = vector.broadcast %get3A_10 : vector<128x1xf32> to vector<128x1024xf32>
    %min3A_1180 = vector.broadcast %get3A_1178 : vector<1x1024xf32> to vector<128x1024xf32>
    %min3A_1181 = arith.minimumf %min3A_1179, %min3A_1180 : vector<128x1024xf32>
    %sub3A_1182 = arith.subf %min3A_1175, %max3A_1163 : vector<128x1024xf32>
    %max3A_1183 = arith.constant 0.000000e+00 : f32
    %max3A_1184 = vector.broadcast %max3A_1183 : f32 to vector<128x1024xf32>
    %max3A_1185 = arith.maximumf %sub3A_1182, %max3A_1184 : vector<128x1024xf32>
    %sub3A_1186 = arith.subf %min3A_1181, %max3A_1169 : vector<128x1024xf32>
    %max3A_1187 = arith.constant 0.000000e+00 : f32
    %max3A_1188 = vector.broadcast %max3A_1187 : f32 to vector<128x1024xf32>
    %max3A_1189 = arith.maximumf %sub3A_1186, %max3A_1188 : vector<128x1024xf32>
    %mul3A_1190 = arith.mulf %max3A_1185, %max3A_1189 : vector<128x1024xf32>
    %get3A_1191 = arith.constant 0 : index
    %get3A_1192 = arith.constant 14336 : index
    %get3A_1193 = vector.load %arg11[%get3A_1191, %get3A_1192] : memref<1x20480xf32, #tpu.memory_space<vmem>>, vector<1x1024xf32>
    %add3A_1194 = vector.broadcast %get3A_13 : vector<128x1xf32> to vector<128x1024xf32>
    %add3A_1195 = vector.broadcast %get3A_1193 : vector<1x1024xf32> to vector<128x1024xf32>
    %add3A_1196 = arith.addf %add3A_1194, %add3A_1195 : vector<128x1024xf32>
    %sub3A_1197 = arith.subf %add3A_1196, %mul3A_1190 : vector<128x1024xf32>
    %add3A_1198 = arith.constant 9.99999997E-7 : f32
    %add3A_1199 = vector.broadcast %add3A_1198 : f32 to vector<128x1024xf32>
    %add3A_1200 = arith.addf %sub3A_1197, %add3A_1199 : vector<128x1024xf32>
    %div3A_1201 = arith.divf %mul3A_1190, %add3A_1200 : vector<128x1024xf32>
    %reduce_max3A_1202 = arith.constant dense<0xFF800000> : vector<128xf32>
    %reduce_max3A_1203 = vector.multi_reduction <maximumf>, %div3A_1201, %reduce_max3A_1202 [1] : vector<128x1024xf32> to vector<128xf32>
    %broadcast_in_dim3A_1204 = vector.shape_cast %reduce_max3A_1203 : vector<128xf32> to vector<128x1xf32>
    %eq3A_1205 = vector.broadcast %broadcast_in_dim3A_1204 : vector<128x1xf32> to vector<128x1024xf32>
    %eq3A_1206 = arith.cmpf oeq, %div3A_1201, %eq3A_1205 : vector<128x1024xf32>
    %jit3A_1207 = arith.constant 1024 : i32
    %broadcast_in_dim3A_1208 = vector.broadcast %jit3A_1207 : i32 to vector<128x1024xi32>
    %select_n3A_1209 = arith.select %eq3A_1206, %iota3A_19, %broadcast_in_dim3A_1208 : vector<128x1024xi1>, vector<128x1024xi32>
    %reduce_min3A_1210 = arith.constant dense<2147483647> : vector<128xi32>
    %reduce_min3A_1211 = vector.multi_reduction <minsi>, %select_n3A_1209, %reduce_min3A_1210 [1] : vector<128x1024xi32> to vector<128xi32>
    %broadcast_in_dim3A_1212 = vector.shape_cast %reduce_min3A_1211 : vector<128xi32> to vector<128x1xi32>
    %add3A_1213 = arith.constant 14336 : i32
    %add3A_1214 = vector.broadcast %add3A_1213 : i32 to vector<128x1xi32>
    %add3A_1215 = arith.addi %broadcast_in_dim3A_1212, %add3A_1214 : vector<128x1xi32>
    %gt3A_1216 = arith.cmpf ogt, %broadcast_in_dim3A_1204, %select_n3A_1136 : vector<128x1xf32>
    %select_n3A_1217 = arith.select %gt3A_1216, %add3A_1215, %select_n3A_1135 : vector<128x1xi1>, vector<128x1xi32>
    %select_n3A_1218 = arith.select %gt3A_1216, %broadcast_in_dim3A_1204, %select_n3A_1136 : vector<128x1xi1>, vector<128x1xf32>
    %get3A_1219 = arith.constant 0 : index
    %get3A_1220 = arith.constant 14336 : index
    %get3A_1221 = vector.load %arg12[%get3A_1219, %get3A_1220] : memref<1x20480xf32, #tpu.memory_space<vmem>>, vector<1x1024xf32>
    %gt3A_1222 = vector.broadcast %get3A_1221 : vector<1x1024xf32> to vector<128x1024xf32>
    %gt3A_1223 = vector.broadcast %get3A_16 : vector<128x1xf32> to vector<128x1024xf32>
    %gt3A_1224 = arith.cmpf ogt, %gt3A_1222, %gt3A_1223 : vector<128x1024xf32>
    %eq3A_1225 = vector.broadcast %get3A_1221 : vector<1x1024xf32> to vector<128x1024xf32>
    %eq3A_1226 = vector.broadcast %get3A_16 : vector<128x1xf32> to vector<128x1024xf32>
    %eq3A_1227 = arith.cmpf oeq, %eq3A_1225, %eq3A_1226 : vector<128x1024xf32>
    %sub3A_1228 = arith.constant 14336 : i32
    %sub3A_1229 = vector.broadcast %sub3A_1228 : i32 to vector<128x1xi32>
    %sub3A_1230 = arith.subi %add3A_18, %sub3A_1229 : vector<128x1xi32>
    %lt3A_1231 = vector.broadcast %sub3A_1230 : vector<128x1xi32> to vector<128x1024xi32>
    %lt3A_1232 = arith.cmpi slt, %iota3A_19, %lt3A_1231 : vector<128x1024xi32>
    %and3A_1233 = arith.andi %eq3A_1227, %lt3A_1232 : vector<128x1024xi1>
    %or3A_1234 = arith.ori %gt3A_1224, %and3A_1233 : vector<128x1024xi1>
    %convert_element_type3A_1235 = arith.extui %or3A_1234 : vector<128x1024xi1> to vector<128x1024xi32>
    %reduce_sum3A_1236 = arith.constant dense<0> : vector<128xi32>
    %reduce_sum3A_1237 = vector.multi_reduction <add>, %convert_element_type3A_1235, %reduce_sum3A_1236 [1] : vector<128x1024xi32> to vector<128xi32>
    %broadcast_in_dim3A_1238 = vector.shape_cast %reduce_sum3A_1237 : vector<128xi32> to vector<128x1xi32>
    %add3A_1239 = arith.addi %add3A_1157, %broadcast_in_dim3A_1238 : vector<128x1xi32>
    %get3A_1240 = arith.constant 0 : index
    %get3A_1241 = arith.constant 15360 : index
    %get3A_1242 = vector.load %arg7[%get3A_1240, %get3A_1241] : memref<1x20480xf32, #tpu.memory_space<vmem>>, vector<1x1024xf32>
    %max3A_1243 = vector.broadcast %get3A_1 : vector<128x1xf32> to vector<128x1024xf32>
    %max3A_1244 = vector.broadcast %get3A_1242 : vector<1x1024xf32> to vector<128x1024xf32>
    %max3A_1245 = arith.maximumf %max3A_1243, %max3A_1244 : vector<128x1024xf32>
    %get3A_1246 = arith.constant 0 : index
    %get3A_1247 = arith.constant 15360 : index
    %get3A_1248 = vector.load %arg8[%get3A_1246, %get3A_1247] : memref<1x20480xf32, #tpu.memory_space<vmem>>, vector<1x1024xf32>
    %max3A_1249 = vector.broadcast %get3A_4 : vector<128x1xf32> to vector<128x1024xf32>
    %max3A_1250 = vector.broadcast %get3A_1248 : vector<1x1024xf32> to vector<128x1024xf32>
    %max3A_1251 = arith.maximumf %max3A_1249, %max3A_1250 : vector<128x1024xf32>
    %get3A_1252 = arith.constant 0 : index
    %get3A_1253 = arith.constant 15360 : index
    %get3A_1254 = vector.load %arg9[%get3A_1252, %get3A_1253] : memref<1x20480xf32, #tpu.memory_space<vmem>>, vector<1x1024xf32>
    %min3A_1255 = vector.broadcast %get3A_7 : vector<128x1xf32> to vector<128x1024xf32>
    %min3A_1256 = vector.broadcast %get3A_1254 : vector<1x1024xf32> to vector<128x1024xf32>
    %min3A_1257 = arith.minimumf %min3A_1255, %min3A_1256 : vector<128x1024xf32>
    %get3A_1258 = arith.constant 0 : index
    %get3A_1259 = arith.constant 15360 : index
    %get3A_1260 = vector.load %arg10[%get3A_1258, %get3A_1259] : memref<1x20480xf32, #tpu.memory_space<vmem>>, vector<1x1024xf32>
    %min3A_1261 = vector.broadcast %get3A_10 : vector<128x1xf32> to vector<128x1024xf32>
    %min3A_1262 = vector.broadcast %get3A_1260 : vector<1x1024xf32> to vector<128x1024xf32>
    %min3A_1263 = arith.minimumf %min3A_1261, %min3A_1262 : vector<128x1024xf32>
    %sub3A_1264 = arith.subf %min3A_1257, %max3A_1245 : vector<128x1024xf32>
    %max3A_1265 = arith.constant 0.000000e+00 : f32
    %max3A_1266 = vector.broadcast %max3A_1265 : f32 to vector<128x1024xf32>
    %max3A_1267 = arith.maximumf %sub3A_1264, %max3A_1266 : vector<128x1024xf32>
    %sub3A_1268 = arith.subf %min3A_1263, %max3A_1251 : vector<128x1024xf32>
    %max3A_1269 = arith.constant 0.000000e+00 : f32
    %max3A_1270 = vector.broadcast %max3A_1269 : f32 to vector<128x1024xf32>
    %max3A_1271 = arith.maximumf %sub3A_1268, %max3A_1270 : vector<128x1024xf32>
    %mul3A_1272 = arith.mulf %max3A_1267, %max3A_1271 : vector<128x1024xf32>
    %get3A_1273 = arith.constant 0 : index
    %get3A_1274 = arith.constant 15360 : index
    %get3A_1275 = vector.load %arg11[%get3A_1273, %get3A_1274] : memref<1x20480xf32, #tpu.memory_space<vmem>>, vector<1x1024xf32>
    %add3A_1276 = vector.broadcast %get3A_13 : vector<128x1xf32> to vector<128x1024xf32>
    %add3A_1277 = vector.broadcast %get3A_1275 : vector<1x1024xf32> to vector<128x1024xf32>
    %add3A_1278 = arith.addf %add3A_1276, %add3A_1277 : vector<128x1024xf32>
    %sub3A_1279 = arith.subf %add3A_1278, %mul3A_1272 : vector<128x1024xf32>
    %add3A_1280 = arith.constant 9.99999997E-7 : f32
    %add3A_1281 = vector.broadcast %add3A_1280 : f32 to vector<128x1024xf32>
    %add3A_1282 = arith.addf %sub3A_1279, %add3A_1281 : vector<128x1024xf32>
    %div3A_1283 = arith.divf %mul3A_1272, %add3A_1282 : vector<128x1024xf32>
    %reduce_max3A_1284 = arith.constant dense<0xFF800000> : vector<128xf32>
    %reduce_max3A_1285 = vector.multi_reduction <maximumf>, %div3A_1283, %reduce_max3A_1284 [1] : vector<128x1024xf32> to vector<128xf32>
    %broadcast_in_dim3A_1286 = vector.shape_cast %reduce_max3A_1285 : vector<128xf32> to vector<128x1xf32>
    %eq3A_1287 = vector.broadcast %broadcast_in_dim3A_1286 : vector<128x1xf32> to vector<128x1024xf32>
    %eq3A_1288 = arith.cmpf oeq, %div3A_1283, %eq3A_1287 : vector<128x1024xf32>
    %jit3A_1289 = arith.constant 1024 : i32
    %broadcast_in_dim3A_1290 = vector.broadcast %jit3A_1289 : i32 to vector<128x1024xi32>
    %select_n3A_1291 = arith.select %eq3A_1288, %iota3A_19, %broadcast_in_dim3A_1290 : vector<128x1024xi1>, vector<128x1024xi32>
    %reduce_min3A_1292 = arith.constant dense<2147483647> : vector<128xi32>
    %reduce_min3A_1293 = vector.multi_reduction <minsi>, %select_n3A_1291, %reduce_min3A_1292 [1] : vector<128x1024xi32> to vector<128xi32>
    %broadcast_in_dim3A_1294 = vector.shape_cast %reduce_min3A_1293 : vector<128xi32> to vector<128x1xi32>
    %add3A_1295 = arith.constant 15360 : i32
    %add3A_1296 = vector.broadcast %add3A_1295 : i32 to vector<128x1xi32>
    %add3A_1297 = arith.addi %broadcast_in_dim3A_1294, %add3A_1296 : vector<128x1xi32>
    %gt3A_1298 = arith.cmpf ogt, %broadcast_in_dim3A_1286, %select_n3A_1218 : vector<128x1xf32>
    %select_n3A_1299 = arith.select %gt3A_1298, %add3A_1297, %select_n3A_1217 : vector<128x1xi1>, vector<128x1xi32>
    %select_n3A_1300 = arith.select %gt3A_1298, %broadcast_in_dim3A_1286, %select_n3A_1218 : vector<128x1xi1>, vector<128x1xf32>
    %get3A_1301 = arith.constant 0 : index
    %get3A_1302 = arith.constant 15360 : index
    %get3A_1303 = vector.load %arg12[%get3A_1301, %get3A_1302] : memref<1x20480xf32, #tpu.memory_space<vmem>>, vector<1x1024xf32>
    %gt3A_1304 = vector.broadcast %get3A_1303 : vector<1x1024xf32> to vector<128x1024xf32>
    %gt3A_1305 = vector.broadcast %get3A_16 : vector<128x1xf32> to vector<128x1024xf32>
    %gt3A_1306 = arith.cmpf ogt, %gt3A_1304, %gt3A_1305 : vector<128x1024xf32>
    %eq3A_1307 = vector.broadcast %get3A_1303 : vector<1x1024xf32> to vector<128x1024xf32>
    %eq3A_1308 = vector.broadcast %get3A_16 : vector<128x1xf32> to vector<128x1024xf32>
    %eq3A_1309 = arith.cmpf oeq, %eq3A_1307, %eq3A_1308 : vector<128x1024xf32>
    %sub3A_1310 = arith.constant 15360 : i32
    %sub3A_1311 = vector.broadcast %sub3A_1310 : i32 to vector<128x1xi32>
    %sub3A_1312 = arith.subi %add3A_18, %sub3A_1311 : vector<128x1xi32>
    %lt3A_1313 = vector.broadcast %sub3A_1312 : vector<128x1xi32> to vector<128x1024xi32>
    %lt3A_1314 = arith.cmpi slt, %iota3A_19, %lt3A_1313 : vector<128x1024xi32>
    %and3A_1315 = arith.andi %eq3A_1309, %lt3A_1314 : vector<128x1024xi1>
    %or3A_1316 = arith.ori %gt3A_1306, %and3A_1315 : vector<128x1024xi1>
    %convert_element_type3A_1317 = arith.extui %or3A_1316 : vector<128x1024xi1> to vector<128x1024xi32>
    %reduce_sum3A_1318 = arith.constant dense<0> : vector<128xi32>
    %reduce_sum3A_1319 = vector.multi_reduction <add>, %convert_element_type3A_1317, %reduce_sum3A_1318 [1] : vector<128x1024xi32> to vector<128xi32>
    %broadcast_in_dim3A_1320 = vector.shape_cast %reduce_sum3A_1319 : vector<128xi32> to vector<128x1xi32>
    %add3A_1321 = arith.addi %add3A_1239, %broadcast_in_dim3A_1320 : vector<128x1xi32>
    %get3A_1322 = arith.constant 0 : index
    %get3A_1323 = arith.constant 16384 : index
    %get3A_1324 = vector.load %arg7[%get3A_1322, %get3A_1323] : memref<1x20480xf32, #tpu.memory_space<vmem>>, vector<1x1024xf32>
    %max3A_1325 = vector.broadcast %get3A_1 : vector<128x1xf32> to vector<128x1024xf32>
    %max3A_1326 = vector.broadcast %get3A_1324 : vector<1x1024xf32> to vector<128x1024xf32>
    %max3A_1327 = arith.maximumf %max3A_1325, %max3A_1326 : vector<128x1024xf32>
    %get3A_1328 = arith.constant 0 : index
    %get3A_1329 = arith.constant 16384 : index
    %get3A_1330 = vector.load %arg8[%get3A_1328, %get3A_1329] : memref<1x20480xf32, #tpu.memory_space<vmem>>, vector<1x1024xf32>
    %max3A_1331 = vector.broadcast %get3A_4 : vector<128x1xf32> to vector<128x1024xf32>
    %max3A_1332 = vector.broadcast %get3A_1330 : vector<1x1024xf32> to vector<128x1024xf32>
    %max3A_1333 = arith.maximumf %max3A_1331, %max3A_1332 : vector<128x1024xf32>
    %get3A_1334 = arith.constant 0 : index
    %get3A_1335 = arith.constant 16384 : index
    %get3A_1336 = vector.load %arg9[%get3A_1334, %get3A_1335] : memref<1x20480xf32, #tpu.memory_space<vmem>>, vector<1x1024xf32>
    %min3A_1337 = vector.broadcast %get3A_7 : vector<128x1xf32> to vector<128x1024xf32>
    %min3A_1338 = vector.broadcast %get3A_1336 : vector<1x1024xf32> to vector<128x1024xf32>
    %min3A_1339 = arith.minimumf %min3A_1337, %min3A_1338 : vector<128x1024xf32>
    %get3A_1340 = arith.constant 0 : index
    %get3A_1341 = arith.constant 16384 : index
    %get3A_1342 = vector.load %arg10[%get3A_1340, %get3A_1341] : memref<1x20480xf32, #tpu.memory_space<vmem>>, vector<1x1024xf32>
    %min3A_1343 = vector.broadcast %get3A_10 : vector<128x1xf32> to vector<128x1024xf32>
    %min3A_1344 = vector.broadcast %get3A_1342 : vector<1x1024xf32> to vector<128x1024xf32>
    %min3A_1345 = arith.minimumf %min3A_1343, %min3A_1344 : vector<128x1024xf32>
    %sub3A_1346 = arith.subf %min3A_1339, %max3A_1327 : vector<128x1024xf32>
    %max3A_1347 = arith.constant 0.000000e+00 : f32
    %max3A_1348 = vector.broadcast %max3A_1347 : f32 to vector<128x1024xf32>
    %max3A_1349 = arith.maximumf %sub3A_1346, %max3A_1348 : vector<128x1024xf32>
    %sub3A_1350 = arith.subf %min3A_1345, %max3A_1333 : vector<128x1024xf32>
    %max3A_1351 = arith.constant 0.000000e+00 : f32
    %max3A_1352 = vector.broadcast %max3A_1351 : f32 to vector<128x1024xf32>
    %max3A_1353 = arith.maximumf %sub3A_1350, %max3A_1352 : vector<128x1024xf32>
    %mul3A_1354 = arith.mulf %max3A_1349, %max3A_1353 : vector<128x1024xf32>
    %get3A_1355 = arith.constant 0 : index
    %get3A_1356 = arith.constant 16384 : index
    %get3A_1357 = vector.load %arg11[%get3A_1355, %get3A_1356] : memref<1x20480xf32, #tpu.memory_space<vmem>>, vector<1x1024xf32>
    %add3A_1358 = vector.broadcast %get3A_13 : vector<128x1xf32> to vector<128x1024xf32>
    %add3A_1359 = vector.broadcast %get3A_1357 : vector<1x1024xf32> to vector<128x1024xf32>
    %add3A_1360 = arith.addf %add3A_1358, %add3A_1359 : vector<128x1024xf32>
    %sub3A_1361 = arith.subf %add3A_1360, %mul3A_1354 : vector<128x1024xf32>
    %add3A_1362 = arith.constant 9.99999997E-7 : f32
    %add3A_1363 = vector.broadcast %add3A_1362 : f32 to vector<128x1024xf32>
    %add3A_1364 = arith.addf %sub3A_1361, %add3A_1363 : vector<128x1024xf32>
    %div3A_1365 = arith.divf %mul3A_1354, %add3A_1364 : vector<128x1024xf32>
    %reduce_max3A_1366 = arith.constant dense<0xFF800000> : vector<128xf32>
    %reduce_max3A_1367 = vector.multi_reduction <maximumf>, %div3A_1365, %reduce_max3A_1366 [1] : vector<128x1024xf32> to vector<128xf32>
    %broadcast_in_dim3A_1368 = vector.shape_cast %reduce_max3A_1367 : vector<128xf32> to vector<128x1xf32>
    %eq3A_1369 = vector.broadcast %broadcast_in_dim3A_1368 : vector<128x1xf32> to vector<128x1024xf32>
    %eq3A_1370 = arith.cmpf oeq, %div3A_1365, %eq3A_1369 : vector<128x1024xf32>
    %jit3A_1371 = arith.constant 1024 : i32
    %broadcast_in_dim3A_1372 = vector.broadcast %jit3A_1371 : i32 to vector<128x1024xi32>
    %select_n3A_1373 = arith.select %eq3A_1370, %iota3A_19, %broadcast_in_dim3A_1372 : vector<128x1024xi1>, vector<128x1024xi32>
    %reduce_min3A_1374 = arith.constant dense<2147483647> : vector<128xi32>
    %reduce_min3A_1375 = vector.multi_reduction <minsi>, %select_n3A_1373, %reduce_min3A_1374 [1] : vector<128x1024xi32> to vector<128xi32>
    %broadcast_in_dim3A_1376 = vector.shape_cast %reduce_min3A_1375 : vector<128xi32> to vector<128x1xi32>
    %add3A_1377 = arith.constant 16384 : i32
    %add3A_1378 = vector.broadcast %add3A_1377 : i32 to vector<128x1xi32>
    %add3A_1379 = arith.addi %broadcast_in_dim3A_1376, %add3A_1378 : vector<128x1xi32>
    %gt3A_1380 = arith.cmpf ogt, %broadcast_in_dim3A_1368, %select_n3A_1300 : vector<128x1xf32>
    %select_n3A_1381 = arith.select %gt3A_1380, %add3A_1379, %select_n3A_1299 : vector<128x1xi1>, vector<128x1xi32>
    %select_n3A_1382 = arith.select %gt3A_1380, %broadcast_in_dim3A_1368, %select_n3A_1300 : vector<128x1xi1>, vector<128x1xf32>
    %get3A_1383 = arith.constant 0 : index
    %get3A_1384 = arith.constant 16384 : index
    %get3A_1385 = vector.load %arg12[%get3A_1383, %get3A_1384] : memref<1x20480xf32, #tpu.memory_space<vmem>>, vector<1x1024xf32>
    %gt3A_1386 = vector.broadcast %get3A_1385 : vector<1x1024xf32> to vector<128x1024xf32>
    %gt3A_1387 = vector.broadcast %get3A_16 : vector<128x1xf32> to vector<128x1024xf32>
    %gt3A_1388 = arith.cmpf ogt, %gt3A_1386, %gt3A_1387 : vector<128x1024xf32>
    %eq3A_1389 = vector.broadcast %get3A_1385 : vector<1x1024xf32> to vector<128x1024xf32>
    %eq3A_1390 = vector.broadcast %get3A_16 : vector<128x1xf32> to vector<128x1024xf32>
    %eq3A_1391 = arith.cmpf oeq, %eq3A_1389, %eq3A_1390 : vector<128x1024xf32>
    %sub3A_1392 = arith.constant 16384 : i32
    %sub3A_1393 = vector.broadcast %sub3A_1392 : i32 to vector<128x1xi32>
    %sub3A_1394 = arith.subi %add3A_18, %sub3A_1393 : vector<128x1xi32>
    %lt3A_1395 = vector.broadcast %sub3A_1394 : vector<128x1xi32> to vector<128x1024xi32>
    %lt3A_1396 = arith.cmpi slt, %iota3A_19, %lt3A_1395 : vector<128x1024xi32>
    %and3A_1397 = arith.andi %eq3A_1391, %lt3A_1396 : vector<128x1024xi1>
    %or3A_1398 = arith.ori %gt3A_1388, %and3A_1397 : vector<128x1024xi1>
    %convert_element_type3A_1399 = arith.extui %or3A_1398 : vector<128x1024xi1> to vector<128x1024xi32>
    %reduce_sum3A_1400 = arith.constant dense<0> : vector<128xi32>
    %reduce_sum3A_1401 = vector.multi_reduction <add>, %convert_element_type3A_1399, %reduce_sum3A_1400 [1] : vector<128x1024xi32> to vector<128xi32>
    %broadcast_in_dim3A_1402 = vector.shape_cast %reduce_sum3A_1401 : vector<128xi32> to vector<128x1xi32>
    %add3A_1403 = arith.addi %add3A_1321, %broadcast_in_dim3A_1402 : vector<128x1xi32>
    %get3A_1404 = arith.constant 0 : index
    %get3A_1405 = arith.constant 17408 : index
    %get3A_1406 = vector.load %arg7[%get3A_1404, %get3A_1405] : memref<1x20480xf32, #tpu.memory_space<vmem>>, vector<1x1024xf32>
    %max3A_1407 = vector.broadcast %get3A_1 : vector<128x1xf32> to vector<128x1024xf32>
    %max3A_1408 = vector.broadcast %get3A_1406 : vector<1x1024xf32> to vector<128x1024xf32>
    %max3A_1409 = arith.maximumf %max3A_1407, %max3A_1408 : vector<128x1024xf32>
    %get3A_1410 = arith.constant 0 : index
    %get3A_1411 = arith.constant 17408 : index
    %get3A_1412 = vector.load %arg8[%get3A_1410, %get3A_1411] : memref<1x20480xf32, #tpu.memory_space<vmem>>, vector<1x1024xf32>
    %max3A_1413 = vector.broadcast %get3A_4 : vector<128x1xf32> to vector<128x1024xf32>
    %max3A_1414 = vector.broadcast %get3A_1412 : vector<1x1024xf32> to vector<128x1024xf32>
    %max3A_1415 = arith.maximumf %max3A_1413, %max3A_1414 : vector<128x1024xf32>
    %get3A_1416 = arith.constant 0 : index
    %get3A_1417 = arith.constant 17408 : index
    %get3A_1418 = vector.load %arg9[%get3A_1416, %get3A_1417] : memref<1x20480xf32, #tpu.memory_space<vmem>>, vector<1x1024xf32>
    %min3A_1419 = vector.broadcast %get3A_7 : vector<128x1xf32> to vector<128x1024xf32>
    %min3A_1420 = vector.broadcast %get3A_1418 : vector<1x1024xf32> to vector<128x1024xf32>
    %min3A_1421 = arith.minimumf %min3A_1419, %min3A_1420 : vector<128x1024xf32>
    %get3A_1422 = arith.constant 0 : index
    %get3A_1423 = arith.constant 17408 : index
    %get3A_1424 = vector.load %arg10[%get3A_1422, %get3A_1423] : memref<1x20480xf32, #tpu.memory_space<vmem>>, vector<1x1024xf32>
    %min3A_1425 = vector.broadcast %get3A_10 : vector<128x1xf32> to vector<128x1024xf32>
    %min3A_1426 = vector.broadcast %get3A_1424 : vector<1x1024xf32> to vector<128x1024xf32>
    %min3A_1427 = arith.minimumf %min3A_1425, %min3A_1426 : vector<128x1024xf32>
    %sub3A_1428 = arith.subf %min3A_1421, %max3A_1409 : vector<128x1024xf32>
    %max3A_1429 = arith.constant 0.000000e+00 : f32
    %max3A_1430 = vector.broadcast %max3A_1429 : f32 to vector<128x1024xf32>
    %max3A_1431 = arith.maximumf %sub3A_1428, %max3A_1430 : vector<128x1024xf32>
    %sub3A_1432 = arith.subf %min3A_1427, %max3A_1415 : vector<128x1024xf32>
    %max3A_1433 = arith.constant 0.000000e+00 : f32
    %max3A_1434 = vector.broadcast %max3A_1433 : f32 to vector<128x1024xf32>
    %max3A_1435 = arith.maximumf %sub3A_1432, %max3A_1434 : vector<128x1024xf32>
    %mul3A_1436 = arith.mulf %max3A_1431, %max3A_1435 : vector<128x1024xf32>
    %get3A_1437 = arith.constant 0 : index
    %get3A_1438 = arith.constant 17408 : index
    %get3A_1439 = vector.load %arg11[%get3A_1437, %get3A_1438] : memref<1x20480xf32, #tpu.memory_space<vmem>>, vector<1x1024xf32>
    %add3A_1440 = vector.broadcast %get3A_13 : vector<128x1xf32> to vector<128x1024xf32>
    %add3A_1441 = vector.broadcast %get3A_1439 : vector<1x1024xf32> to vector<128x1024xf32>
    %add3A_1442 = arith.addf %add3A_1440, %add3A_1441 : vector<128x1024xf32>
    %sub3A_1443 = arith.subf %add3A_1442, %mul3A_1436 : vector<128x1024xf32>
    %add3A_1444 = arith.constant 9.99999997E-7 : f32
    %add3A_1445 = vector.broadcast %add3A_1444 : f32 to vector<128x1024xf32>
    %add3A_1446 = arith.addf %sub3A_1443, %add3A_1445 : vector<128x1024xf32>
    %div3A_1447 = arith.divf %mul3A_1436, %add3A_1446 : vector<128x1024xf32>
    %reduce_max3A_1448 = arith.constant dense<0xFF800000> : vector<128xf32>
    %reduce_max3A_1449 = vector.multi_reduction <maximumf>, %div3A_1447, %reduce_max3A_1448 [1] : vector<128x1024xf32> to vector<128xf32>
    %broadcast_in_dim3A_1450 = vector.shape_cast %reduce_max3A_1449 : vector<128xf32> to vector<128x1xf32>
    %eq3A_1451 = vector.broadcast %broadcast_in_dim3A_1450 : vector<128x1xf32> to vector<128x1024xf32>
    %eq3A_1452 = arith.cmpf oeq, %div3A_1447, %eq3A_1451 : vector<128x1024xf32>
    %jit3A_1453 = arith.constant 1024 : i32
    %broadcast_in_dim3A_1454 = vector.broadcast %jit3A_1453 : i32 to vector<128x1024xi32>
    %select_n3A_1455 = arith.select %eq3A_1452, %iota3A_19, %broadcast_in_dim3A_1454 : vector<128x1024xi1>, vector<128x1024xi32>
    %reduce_min3A_1456 = arith.constant dense<2147483647> : vector<128xi32>
    %reduce_min3A_1457 = vector.multi_reduction <minsi>, %select_n3A_1455, %reduce_min3A_1456 [1] : vector<128x1024xi32> to vector<128xi32>
    %broadcast_in_dim3A_1458 = vector.shape_cast %reduce_min3A_1457 : vector<128xi32> to vector<128x1xi32>
    %add3A_1459 = arith.constant 17408 : i32
    %add3A_1460 = vector.broadcast %add3A_1459 : i32 to vector<128x1xi32>
    %add3A_1461 = arith.addi %broadcast_in_dim3A_1458, %add3A_1460 : vector<128x1xi32>
    %gt3A_1462 = arith.cmpf ogt, %broadcast_in_dim3A_1450, %select_n3A_1382 : vector<128x1xf32>
    %select_n3A_1463 = arith.select %gt3A_1462, %add3A_1461, %select_n3A_1381 : vector<128x1xi1>, vector<128x1xi32>
    %select_n3A_1464 = arith.select %gt3A_1462, %broadcast_in_dim3A_1450, %select_n3A_1382 : vector<128x1xi1>, vector<128x1xf32>
    %get3A_1465 = arith.constant 0 : index
    %get3A_1466 = arith.constant 17408 : index
    %get3A_1467 = vector.load %arg12[%get3A_1465, %get3A_1466] : memref<1x20480xf32, #tpu.memory_space<vmem>>, vector<1x1024xf32>
    %gt3A_1468 = vector.broadcast %get3A_1467 : vector<1x1024xf32> to vector<128x1024xf32>
    %gt3A_1469 = vector.broadcast %get3A_16 : vector<128x1xf32> to vector<128x1024xf32>
    %gt3A_1470 = arith.cmpf ogt, %gt3A_1468, %gt3A_1469 : vector<128x1024xf32>
    %eq3A_1471 = vector.broadcast %get3A_1467 : vector<1x1024xf32> to vector<128x1024xf32>
    %eq3A_1472 = vector.broadcast %get3A_16 : vector<128x1xf32> to vector<128x1024xf32>
    %eq3A_1473 = arith.cmpf oeq, %eq3A_1471, %eq3A_1472 : vector<128x1024xf32>
    %sub3A_1474 = arith.constant 17408 : i32
    %sub3A_1475 = vector.broadcast %sub3A_1474 : i32 to vector<128x1xi32>
    %sub3A_1476 = arith.subi %add3A_18, %sub3A_1475 : vector<128x1xi32>
    %lt3A_1477 = vector.broadcast %sub3A_1476 : vector<128x1xi32> to vector<128x1024xi32>
    %lt3A_1478 = arith.cmpi slt, %iota3A_19, %lt3A_1477 : vector<128x1024xi32>
    %and3A_1479 = arith.andi %eq3A_1473, %lt3A_1478 : vector<128x1024xi1>
    %or3A_1480 = arith.ori %gt3A_1470, %and3A_1479 : vector<128x1024xi1>
    %convert_element_type3A_1481 = arith.extui %or3A_1480 : vector<128x1024xi1> to vector<128x1024xi32>
    %reduce_sum3A_1482 = arith.constant dense<0> : vector<128xi32>
    %reduce_sum3A_1483 = vector.multi_reduction <add>, %convert_element_type3A_1481, %reduce_sum3A_1482 [1] : vector<128x1024xi32> to vector<128xi32>
    %broadcast_in_dim3A_1484 = vector.shape_cast %reduce_sum3A_1483 : vector<128xi32> to vector<128x1xi32>
    %add3A_1485 = arith.addi %add3A_1403, %broadcast_in_dim3A_1484 : vector<128x1xi32>
    %get3A_1486 = arith.constant 0 : index
    %get3A_1487 = arith.constant 18432 : index
    %get3A_1488 = vector.load %arg7[%get3A_1486, %get3A_1487] : memref<1x20480xf32, #tpu.memory_space<vmem>>, vector<1x1024xf32>
    %max3A_1489 = vector.broadcast %get3A_1 : vector<128x1xf32> to vector<128x1024xf32>
    %max3A_1490 = vector.broadcast %get3A_1488 : vector<1x1024xf32> to vector<128x1024xf32>
    %max3A_1491 = arith.maximumf %max3A_1489, %max3A_1490 : vector<128x1024xf32>
    %get3A_1492 = arith.constant 0 : index
    %get3A_1493 = arith.constant 18432 : index
    %get3A_1494 = vector.load %arg8[%get3A_1492, %get3A_1493] : memref<1x20480xf32, #tpu.memory_space<vmem>>, vector<1x1024xf32>
    %max3A_1495 = vector.broadcast %get3A_4 : vector<128x1xf32> to vector<128x1024xf32>
    %max3A_1496 = vector.broadcast %get3A_1494 : vector<1x1024xf32> to vector<128x1024xf32>
    %max3A_1497 = arith.maximumf %max3A_1495, %max3A_1496 : vector<128x1024xf32>
    %get3A_1498 = arith.constant 0 : index
    %get3A_1499 = arith.constant 18432 : index
    %get3A_1500 = vector.load %arg9[%get3A_1498, %get3A_1499] : memref<1x20480xf32, #tpu.memory_space<vmem>>, vector<1x1024xf32>
    %min3A_1501 = vector.broadcast %get3A_7 : vector<128x1xf32> to vector<128x1024xf32>
    %min3A_1502 = vector.broadcast %get3A_1500 : vector<1x1024xf32> to vector<128x1024xf32>
    %min3A_1503 = arith.minimumf %min3A_1501, %min3A_1502 : vector<128x1024xf32>
    %get3A_1504 = arith.constant 0 : index
    %get3A_1505 = arith.constant 18432 : index
    %get3A_1506 = vector.load %arg10[%get3A_1504, %get3A_1505] : memref<1x20480xf32, #tpu.memory_space<vmem>>, vector<1x1024xf32>
    %min3A_1507 = vector.broadcast %get3A_10 : vector<128x1xf32> to vector<128x1024xf32>
    %min3A_1508 = vector.broadcast %get3A_1506 : vector<1x1024xf32> to vector<128x1024xf32>
    %min3A_1509 = arith.minimumf %min3A_1507, %min3A_1508 : vector<128x1024xf32>
    %sub3A_1510 = arith.subf %min3A_1503, %max3A_1491 : vector<128x1024xf32>
    %max3A_1511 = arith.constant 0.000000e+00 : f32
    %max3A_1512 = vector.broadcast %max3A_1511 : f32 to vector<128x1024xf32>
    %max3A_1513 = arith.maximumf %sub3A_1510, %max3A_1512 : vector<128x1024xf32>
    %sub3A_1514 = arith.subf %min3A_1509, %max3A_1497 : vector<128x1024xf32>
    %max3A_1515 = arith.constant 0.000000e+00 : f32
    %max3A_1516 = vector.broadcast %max3A_1515 : f32 to vector<128x1024xf32>
    %max3A_1517 = arith.maximumf %sub3A_1514, %max3A_1516 : vector<128x1024xf32>
    %mul3A_1518 = arith.mulf %max3A_1513, %max3A_1517 : vector<128x1024xf32>
    %get3A_1519 = arith.constant 0 : index
    %get3A_1520 = arith.constant 18432 : index
    %get3A_1521 = vector.load %arg11[%get3A_1519, %get3A_1520] : memref<1x20480xf32, #tpu.memory_space<vmem>>, vector<1x1024xf32>
    %add3A_1522 = vector.broadcast %get3A_13 : vector<128x1xf32> to vector<128x1024xf32>
    %add3A_1523 = vector.broadcast %get3A_1521 : vector<1x1024xf32> to vector<128x1024xf32>
    %add3A_1524 = arith.addf %add3A_1522, %add3A_1523 : vector<128x1024xf32>
    %sub3A_1525 = arith.subf %add3A_1524, %mul3A_1518 : vector<128x1024xf32>
    %add3A_1526 = arith.constant 9.99999997E-7 : f32
    %add3A_1527 = vector.broadcast %add3A_1526 : f32 to vector<128x1024xf32>
    %add3A_1528 = arith.addf %sub3A_1525, %add3A_1527 : vector<128x1024xf32>
    %div3A_1529 = arith.divf %mul3A_1518, %add3A_1528 : vector<128x1024xf32>
    %reduce_max3A_1530 = arith.constant dense<0xFF800000> : vector<128xf32>
    %reduce_max3A_1531 = vector.multi_reduction <maximumf>, %div3A_1529, %reduce_max3A_1530 [1] : vector<128x1024xf32> to vector<128xf32>
    %broadcast_in_dim3A_1532 = vector.shape_cast %reduce_max3A_1531 : vector<128xf32> to vector<128x1xf32>
    %eq3A_1533 = vector.broadcast %broadcast_in_dim3A_1532 : vector<128x1xf32> to vector<128x1024xf32>
    %eq3A_1534 = arith.cmpf oeq, %div3A_1529, %eq3A_1533 : vector<128x1024xf32>
    %jit3A_1535 = arith.constant 1024 : i32
    %broadcast_in_dim3A_1536 = vector.broadcast %jit3A_1535 : i32 to vector<128x1024xi32>
    %select_n3A_1537 = arith.select %eq3A_1534, %iota3A_19, %broadcast_in_dim3A_1536 : vector<128x1024xi1>, vector<128x1024xi32>
    %reduce_min3A_1538 = arith.constant dense<2147483647> : vector<128xi32>
    %reduce_min3A_1539 = vector.multi_reduction <minsi>, %select_n3A_1537, %reduce_min3A_1538 [1] : vector<128x1024xi32> to vector<128xi32>
    %broadcast_in_dim3A_1540 = vector.shape_cast %reduce_min3A_1539 : vector<128xi32> to vector<128x1xi32>
    %add3A_1541 = arith.constant 18432 : i32
    %add3A_1542 = vector.broadcast %add3A_1541 : i32 to vector<128x1xi32>
    %add3A_1543 = arith.addi %broadcast_in_dim3A_1540, %add3A_1542 : vector<128x1xi32>
    %gt3A_1544 = arith.cmpf ogt, %broadcast_in_dim3A_1532, %select_n3A_1464 : vector<128x1xf32>
    %select_n3A_1545 = arith.select %gt3A_1544, %add3A_1543, %select_n3A_1463 : vector<128x1xi1>, vector<128x1xi32>
    %select_n3A_1546 = arith.select %gt3A_1544, %broadcast_in_dim3A_1532, %select_n3A_1464 : vector<128x1xi1>, vector<128x1xf32>
    %get3A_1547 = arith.constant 0 : index
    %get3A_1548 = arith.constant 18432 : index
    %get3A_1549 = vector.load %arg12[%get3A_1547, %get3A_1548] : memref<1x20480xf32, #tpu.memory_space<vmem>>, vector<1x1024xf32>
    %gt3A_1550 = vector.broadcast %get3A_1549 : vector<1x1024xf32> to vector<128x1024xf32>
    %gt3A_1551 = vector.broadcast %get3A_16 : vector<128x1xf32> to vector<128x1024xf32>
    %gt3A_1552 = arith.cmpf ogt, %gt3A_1550, %gt3A_1551 : vector<128x1024xf32>
    %eq3A_1553 = vector.broadcast %get3A_1549 : vector<1x1024xf32> to vector<128x1024xf32>
    %eq3A_1554 = vector.broadcast %get3A_16 : vector<128x1xf32> to vector<128x1024xf32>
    %eq3A_1555 = arith.cmpf oeq, %eq3A_1553, %eq3A_1554 : vector<128x1024xf32>
    %sub3A_1556 = arith.constant 18432 : i32
    %sub3A_1557 = vector.broadcast %sub3A_1556 : i32 to vector<128x1xi32>
    %sub3A_1558 = arith.subi %add3A_18, %sub3A_1557 : vector<128x1xi32>
    %lt3A_1559 = vector.broadcast %sub3A_1558 : vector<128x1xi32> to vector<128x1024xi32>
    %lt3A_1560 = arith.cmpi slt, %iota3A_19, %lt3A_1559 : vector<128x1024xi32>
    %and3A_1561 = arith.andi %eq3A_1555, %lt3A_1560 : vector<128x1024xi1>
    %or3A_1562 = arith.ori %gt3A_1552, %and3A_1561 : vector<128x1024xi1>
    %convert_element_type3A_1563 = arith.extui %or3A_1562 : vector<128x1024xi1> to vector<128x1024xi32>
    %reduce_sum3A_1564 = arith.constant dense<0> : vector<128xi32>
    %reduce_sum3A_1565 = vector.multi_reduction <add>, %convert_element_type3A_1563, %reduce_sum3A_1564 [1] : vector<128x1024xi32> to vector<128xi32>
    %broadcast_in_dim3A_1566 = vector.shape_cast %reduce_sum3A_1565 : vector<128xi32> to vector<128x1xi32>
    %add3A_1567 = arith.addi %add3A_1485, %broadcast_in_dim3A_1566 : vector<128x1xi32>
    %get3A_1568 = arith.constant 0 : index
    %get3A_1569 = arith.constant 19456 : index
    %get3A_1570 = vector.load %arg7[%get3A_1568, %get3A_1569] : memref<1x20480xf32, #tpu.memory_space<vmem>>, vector<1x1024xf32>
    %max3A_1571 = vector.broadcast %get3A_1 : vector<128x1xf32> to vector<128x1024xf32>
    %max3A_1572 = vector.broadcast %get3A_1570 : vector<1x1024xf32> to vector<128x1024xf32>
    %max3A_1573 = arith.maximumf %max3A_1571, %max3A_1572 : vector<128x1024xf32>
    %get3A_1574 = arith.constant 0 : index
    %get3A_1575 = arith.constant 19456 : index
    %get3A_1576 = vector.load %arg8[%get3A_1574, %get3A_1575] : memref<1x20480xf32, #tpu.memory_space<vmem>>, vector<1x1024xf32>
    %max3A_1577 = vector.broadcast %get3A_4 : vector<128x1xf32> to vector<128x1024xf32>
    %max3A_1578 = vector.broadcast %get3A_1576 : vector<1x1024xf32> to vector<128x1024xf32>
    %max3A_1579 = arith.maximumf %max3A_1577, %max3A_1578 : vector<128x1024xf32>
    %get3A_1580 = arith.constant 0 : index
    %get3A_1581 = arith.constant 19456 : index
    %get3A_1582 = vector.load %arg9[%get3A_1580, %get3A_1581] : memref<1x20480xf32, #tpu.memory_space<vmem>>, vector<1x1024xf32>
    %min3A_1583 = vector.broadcast %get3A_7 : vector<128x1xf32> to vector<128x1024xf32>
    %min3A_1584 = vector.broadcast %get3A_1582 : vector<1x1024xf32> to vector<128x1024xf32>
    %min3A_1585 = arith.minimumf %min3A_1583, %min3A_1584 : vector<128x1024xf32>
    %get3A_1586 = arith.constant 0 : index
    %get3A_1587 = arith.constant 19456 : index
    %get3A_1588 = vector.load %arg10[%get3A_1586, %get3A_1587] : memref<1x20480xf32, #tpu.memory_space<vmem>>, vector<1x1024xf32>
    %min3A_1589 = vector.broadcast %get3A_10 : vector<128x1xf32> to vector<128x1024xf32>
    %min3A_1590 = vector.broadcast %get3A_1588 : vector<1x1024xf32> to vector<128x1024xf32>
    %min3A_1591 = arith.minimumf %min3A_1589, %min3A_1590 : vector<128x1024xf32>
    %sub3A_1592 = arith.subf %min3A_1585, %max3A_1573 : vector<128x1024xf32>
    %max3A_1593 = arith.constant 0.000000e+00 : f32
    %max3A_1594 = vector.broadcast %max3A_1593 : f32 to vector<128x1024xf32>
    %max3A_1595 = arith.maximumf %sub3A_1592, %max3A_1594 : vector<128x1024xf32>
    %sub3A_1596 = arith.subf %min3A_1591, %max3A_1579 : vector<128x1024xf32>
    %max3A_1597 = arith.constant 0.000000e+00 : f32
    %max3A_1598 = vector.broadcast %max3A_1597 : f32 to vector<128x1024xf32>
    %max3A_1599 = arith.maximumf %sub3A_1596, %max3A_1598 : vector<128x1024xf32>
    %mul3A_1600 = arith.mulf %max3A_1595, %max3A_1599 : vector<128x1024xf32>
    %get3A_1601 = arith.constant 0 : index
    %get3A_1602 = arith.constant 19456 : index
    %get3A_1603 = vector.load %arg11[%get3A_1601, %get3A_1602] : memref<1x20480xf32, #tpu.memory_space<vmem>>, vector<1x1024xf32>
    %add3A_1604 = vector.broadcast %get3A_13 : vector<128x1xf32> to vector<128x1024xf32>
    %add3A_1605 = vector.broadcast %get3A_1603 : vector<1x1024xf32> to vector<128x1024xf32>
    %add3A_1606 = arith.addf %add3A_1604, %add3A_1605 : vector<128x1024xf32>
    %sub3A_1607 = arith.subf %add3A_1606, %mul3A_1600 : vector<128x1024xf32>
    %add3A_1608 = arith.constant 9.99999997E-7 : f32
    %add3A_1609 = vector.broadcast %add3A_1608 : f32 to vector<128x1024xf32>
    %add3A_1610 = arith.addf %sub3A_1607, %add3A_1609 : vector<128x1024xf32>
    %div3A_1611 = arith.divf %mul3A_1600, %add3A_1610 : vector<128x1024xf32>
    %reduce_max3A_1612 = arith.constant dense<0xFF800000> : vector<128xf32>
    %reduce_max3A_1613 = vector.multi_reduction <maximumf>, %div3A_1611, %reduce_max3A_1612 [1] : vector<128x1024xf32> to vector<128xf32>
    %broadcast_in_dim3A_1614 = vector.shape_cast %reduce_max3A_1613 : vector<128xf32> to vector<128x1xf32>
    %eq3A_1615 = vector.broadcast %broadcast_in_dim3A_1614 : vector<128x1xf32> to vector<128x1024xf32>
    %eq3A_1616 = arith.cmpf oeq, %div3A_1611, %eq3A_1615 : vector<128x1024xf32>
    %jit3A_1617 = arith.constant 1024 : i32
    %broadcast_in_dim3A_1618 = vector.broadcast %jit3A_1617 : i32 to vector<128x1024xi32>
    %select_n3A_1619 = arith.select %eq3A_1616, %iota3A_19, %broadcast_in_dim3A_1618 : vector<128x1024xi1>, vector<128x1024xi32>
    %reduce_min3A_1620 = arith.constant dense<2147483647> : vector<128xi32>
    %reduce_min3A_1621 = vector.multi_reduction <minsi>, %select_n3A_1619, %reduce_min3A_1620 [1] : vector<128x1024xi32> to vector<128xi32>
    %broadcast_in_dim3A_1622 = vector.shape_cast %reduce_min3A_1621 : vector<128xi32> to vector<128x1xi32>
    %add3A_1623 = arith.constant 19456 : i32
    %add3A_1624 = vector.broadcast %add3A_1623 : i32 to vector<128x1xi32>
    %add3A_1625 = arith.addi %broadcast_in_dim3A_1622, %add3A_1624 : vector<128x1xi32>
    %gt3A_1626 = arith.cmpf ogt, %broadcast_in_dim3A_1614, %select_n3A_1546 : vector<128x1xf32>
    %select_n3A_1627 = arith.select %gt3A_1626, %add3A_1625, %select_n3A_1545 : vector<128x1xi1>, vector<128x1xi32>
    %select_n3A_1628 = arith.select %gt3A_1626, %broadcast_in_dim3A_1614, %select_n3A_1546 : vector<128x1xi1>, vector<128x1xf32>
    %get3A_1629 = arith.constant 0 : index
    %get3A_1630 = arith.constant 19456 : index
    %get3A_1631 = vector.load %arg12[%get3A_1629, %get3A_1630] : memref<1x20480xf32, #tpu.memory_space<vmem>>, vector<1x1024xf32>
    %gt3A_1632 = vector.broadcast %get3A_1631 : vector<1x1024xf32> to vector<128x1024xf32>
    %gt3A_1633 = vector.broadcast %get3A_16 : vector<128x1xf32> to vector<128x1024xf32>
    %gt3A_1634 = arith.cmpf ogt, %gt3A_1632, %gt3A_1633 : vector<128x1024xf32>
    %eq3A_1635 = vector.broadcast %get3A_1631 : vector<1x1024xf32> to vector<128x1024xf32>
    %eq3A_1636 = vector.broadcast %get3A_16 : vector<128x1xf32> to vector<128x1024xf32>
    %eq3A_1637 = arith.cmpf oeq, %eq3A_1635, %eq3A_1636 : vector<128x1024xf32>
    %sub3A_1638 = arith.constant 19456 : i32
    %sub3A_1639 = vector.broadcast %sub3A_1638 : i32 to vector<128x1xi32>
    %sub3A_1640 = arith.subi %add3A_18, %sub3A_1639 : vector<128x1xi32>
    %lt3A_1641 = vector.broadcast %sub3A_1640 : vector<128x1xi32> to vector<128x1024xi32>
    %lt3A_1642 = arith.cmpi slt, %iota3A_19, %lt3A_1641 : vector<128x1024xi32>
    %and3A_1643 = arith.andi %eq3A_1637, %lt3A_1642 : vector<128x1024xi1>
    %or3A_1644 = arith.ori %gt3A_1634, %and3A_1643 : vector<128x1024xi1>
    %convert_element_type3A_1645 = arith.extui %or3A_1644 : vector<128x1024xi1> to vector<128x1024xi32>
    %reduce_sum3A_1646 = arith.constant dense<0> : vector<128xi32>
    %reduce_sum3A_1647 = vector.multi_reduction <add>, %convert_element_type3A_1645, %reduce_sum3A_1646 [1] : vector<128x1024xi32> to vector<128xi32>
    %broadcast_in_dim3A_1648 = vector.shape_cast %reduce_sum3A_1647 : vector<128xi32> to vector<128x1xi32>
    %add3A_1649 = arith.addi %add3A_1567, %broadcast_in_dim3A_1648 : vector<128x1xi32>
    %swap3A = arith.constant 0 : index
    %swap3A_1650 = arith.constant 0 : index
    %swap3A_1651 = vector.load %arg13[%swap3A, %swap3A_1650] : memref<128x1xf32, #tpu.memory_space<vmem>>, vector<128x1xf32>
    tpu.vector_store %arg13[%swap3A, %swap3A_1650], %select_n3A_1628 {strides = array<i32>} : memref<128x1xf32, #tpu.memory_space<vmem>>, vector<128x1xf32>,
    %swap3A_1652 = arith.constant 0 : index
    %swap3A_1653 = arith.constant 0 : index
    %swap3A_1654 = vector.load %arg14[%swap3A_1652, %swap3A_1653] : memref<128x1xi32, #tpu.memory_space<vmem>>, vector<128x1xi32>
    tpu.vector_store %arg14[%swap3A_1652, %swap3A_1653], %select_n3A_1627 {strides = array<i32>} : memref<128x1xi32, #tpu.memory_space<vmem>>, vector<128x1xi32>,
    %swap3A_1655 = arith.constant 0 : index
    %swap3A_1656 = arith.constant 0 : index
    %swap3A_1657 = vector.load %arg15[%swap3A_1655, %swap3A_1656] : memref<128x1xi32, #tpu.memory_space<vmem>>, vector<128x1xi32>
    tpu.vector_store %arg15[%swap3A_1655, %swap3A_1656], %add3A_1649 {strides = array<i32>} : memref<128x1xi32, #tpu.memory_space<vmem>>, vector<128x1xi32>,
    return
  }
  func.func @transform_0(%arg0: i32) -> (i32, i32) {
    %c0_i32 = arith.constant 0 : i32
    %c0_i32_0 = arith.constant 0 : i32
    return %arg0, %c0_i32 : i32, i32
  }
  func.func @transform_1(%arg0: i32) -> (i32, i32) {
    %c0_i32 = arith.constant 0 : i32
    %c0_i32_0 = arith.constant 0 : i32
    return %arg0, %c0_i32 : i32, i32
  }
  func.func @transform_2(%arg0: i32) -> (i32, i32) {
    %c0_i32 = arith.constant 0 : i32
    %c0_i32_0 = arith.constant 0 : i32
    return %arg0, %c0_i32 : i32, i32
  }
  func.func @transform_3(%arg0: i32) -> (i32, i32) {
    %c0_i32 = arith.constant 0 : i32
    %c0_i32_0 = arith.constant 0 : i32
    return %arg0, %c0_i32 : i32, i32
  }
  func.func @transform_4(%arg0: i32) -> (i32, i32) {
    %c0_i32 = arith.constant 0 : i32
    %c0_i32_0 = arith.constant 0 : i32
    return %arg0, %c0_i32 : i32, i32
  }
  func.func @transform_5(%arg0: i32) -> (i32, i32) {
    %c0_i32 = arith.constant 0 : i32
    %c0_i32_0 = arith.constant 0 : i32
    return %arg0, %c0_i32 : i32, i32
  }
  func.func @transform_6(%arg0: i32) -> (i32, i32) {
    %c0_i32 = arith.constant 0 : i32
    %c0_i32_0 = arith.constant 0 : i32
    %c0_i32_1 = arith.constant 0 : i32
    return %c0_i32, %c0_i32_0 : i32, i32
  }
  func.func @transform_7(%arg0: i32) -> (i32, i32) {
    %c0_i32 = arith.constant 0 : i32
    %c0_i32_0 = arith.constant 0 : i32
    %c0_i32_1 = arith.constant 0 : i32
    return %c0_i32, %c0_i32_0 : i32, i32
  }
  func.func @transform_8(%arg0: i32) -> (i32, i32) {
    %c0_i32 = arith.constant 0 : i32
    %c0_i32_0 = arith.constant 0 : i32
    %c0_i32_1 = arith.constant 0 : i32
    return %c0_i32, %c0_i32_0 : i32, i32
  }
  func.func @transform_9(%arg0: i32) -> (i32, i32) {
    %c0_i32 = arith.constant 0 : i32
    %c0_i32_0 = arith.constant 0 : i32
    %c0_i32_1 = arith.constant 0 : i32
    return %c0_i32, %c0_i32_0 : i32, i32
  }
  func.func @transform_10(%arg0: i32) -> (i32, i32) {
    %c0_i32 = arith.constant 0 : i32
    %c0_i32_0 = arith.constant 0 : i32
    %c0_i32_1 = arith.constant 0 : i32
    return %c0_i32, %c0_i32_0 : i32, i32
  }
  func.func @transform_11(%arg0: i32) -> (i32, i32) {
    %c0_i32 = arith.constant 0 : i32
    %c0_i32_0 = arith.constant 0 : i32
    %c0_i32_1 = arith.constant 0 : i32
    return %c0_i32, %c0_i32_0 : i32, i32
  }
  func.func @transform_12(%arg0: i32) -> (i32, i32) {
    %c0_i32 = arith.constant 0 : i32
    %c0_i32_0 = arith.constant 0 : i32
    return %arg0, %c0_i32 : i32, i32
  }
  func.func @transform_13(%arg0: i32) -> (i32, i32) {
    %c0_i32 = arith.constant 0 : i32
    %c0_i32_0 = arith.constant 0 : i32
    return %arg0, %c0_i32 : i32, i32
  }
  func.func @transform_14(%arg0: i32) -> (i32, i32) {
    %c0_i32 = arith.constant 0 : i32
    %c0_i32_0 = arith.constant 0 : i32
    return %arg0, %c0_i32 : i32, i32
  }
}

</mosaic_0001>

<sc_bundles>
// kernel: kernel.4.cloned.1.call-start
scs
__scs_entry_jumppad:
0x0: {  	(pc) =	sbr.rel $0x88, $3  }
0x1: {  	(tag) =	ssettag $0x0;
	lr =	simm.s32 $0x1  }
0x2: {  	[smem:$0x3F9E] =	sst lr;
	_ =	strace $0xD0000000  }
0x3: {  	_ = 	snop  }
0x4: {  	_ = 	snop  }
0x5: {  	_ = 	snop  }
0x6: {  	_ = 	snop  }
0x7: {  	_ = 	snop  }
__scs_overlays_trampoline_lowered:
0x8: {  	[smem:$0x3FAD] =	sst s0  }
0x9: {  	[smem:$0x3FAE] =	sst s1  }
0xa: {  	[smem:$0x3FAF] =	sst s2  }
0xb: {  	[smem:$0x3FB0] =	sst s3  }
0xc: {  	[smem:$0x3FB1] =	sst s4  }
0xd: {  	[smem:$0x3FB2] =	sst s5  }
0xe: {  	[smem:$0x3FB3] =	sst s6  }
0xf: {  	[smem:$0x3FB4] =	sst s7  }
0x10: {  	[smem:$0x3FB5] =	sst s8  }
0x11: {  	[smem:$0x3FB6] =	sst s9;
	s0 =	simm.s32 @!p0 $0x0  }
0x12: {  	s1 =	sld [smem:$0x3F9C];
	s0 =	simm.s32 @p0 $0x1  }
0x13: {  	[smem:$0x3FB7] =	sst s0;
	s0 =	simm.s32 @!p1 $0x0  }
0x14: {  	s2 =	sld [smem:$0x3F9B];
	s0 =	simm.s32 @p1 $0x1  }
0x15: {  	[smem:$0x3FB8] =	sst s0;
	s0 =	simm.s32 @!p2 $0x0  }
0x16: {  	s3 =	sld [smem:$0x3FDB];
	s0 =	simm.s32 @p2 $0x1  }
0x17: {  	s4 =	simm.s32 $0x1BF5;
	[smem:$0x3FBA] =	sst s0  }
0x18: {  	s0 =	sld [smem:$0x3F9D];
	_ =	swait.ge [sflag:s4], $0x0  }
0x19: {  	s7 =	sld [smem:$0x3F9E]  }
0x1a: {  	s8 =	sadd.s32 $0xFFFFE003, lr  }
0x1b: {  	s9 =	sadd.s32 $0xFFFFFEF7, lr;
	s5 =	simm.s32 $0xFFFFFFFF;
	p2 =	slt.u32 s8, $0xFFFFF086  }
0x1c: {  	p1 =	slt.u32 s9, $0xF7A;
	s5 =	simm.s32 @!p2 $0x0  }
0x1d: {  	s5 =	simm.s32 @p1 $0x1;
	p0 =	seq.s32 s7, s2  }
0x1e: {  	s7 =	smul.u32 @!p0 $0xF7A, s2;
	p2 =	seq.s32 @!p0 s5, $0x0  }
0x1f: {  	s9 =	smul.u32 $0xF7A, s1;
	s8 =	simm.s32 @!p0 $0x1BF5;
	p2 =	por !p2, p0  }
0x20: {  	[sflag:s8] =	ssyncset.s32 @!p0 $0xFFFFF086;
	s6 =	sadd.s32 @!p0 s3, s7;
	s7 =	simm.s32 @!p0 $0x108  }
0x21: {  	s3 =	sadd.s32 s3, s9;
	s6 =	sadd.s32 @!p0 $0x88, s6;
	s7 =	simm.s32 @p2 $0x1082  }
0x22: {  	[simem:s7], [sflag:s8] =	dma.local @!p0 [hbm:s6], $0xF7A  }
0x23: {  	s9 =	sor.u32 $0xD0000000, s2;
	s6 =	simm.s32 $0x108;
	_ =	swait.ge @!p0 [sflag:s8], $0x0  }
0x24: {  	s3 =	sadd.s32 $0x88, s3;
	s6 =	simm.s32 @!p1 $0x1082;
	[sflag:s4] =	ssyncset.s32 $0xFFFFF086  }
0x25: {  	[simem:s6], [sflag:s4] =	dma.local [hbm:s3], $0xF7A  }
0x26: {  	[smem:$0x3F9E] =	sst s1;
	(tag) =	ssettag s2;
	_ =	strace s9  }
0x27: {  	s1 =	sld [smem:$0x3FAE]  }
0x28: {  	s2 =	sld [smem:$0x3FAF]  }
0x29: {  	s4 =	sld [smem:$0x3FB1]  }
0x2a: {  	p0 =	seq.s32 s5, $0x0;
	s5 =	sld [smem:$0x3FB2]  }
0x2b: {  	s6 =	sld [smem:$0x3FB3]  }
0x2c: {  	s7 =	sld [smem:$0x3FB4]  }
0x2d: {  	s3 =	simm.s32 $0x108;
	s8 =	sld [smem:$0x3FB5]  }
0x2e: {  	s3 =	simm.s32 @!p0 $0x1082;
	s9 =	sld [smem:$0x3FB6]  }
0x2f: {  	lr =	sadd.s32 s0, s3;
	s0 =	sld [smem:$0x3FAD]  }
0x30: {  	s3 =	sld [smem:$0x3FB0]  }
0x31: {  	[smem:$0x3FB9] =	sst s10  }
0x32: {  	s10 =	sld [smem:$0x3FB7];
	_ =	sdelay $0x3  }
0x33: {  	p0 =	seq.s32 s10, $0x1;
	s10 =	sld [smem:$0x3FB9];
	_ =	sdelay $0x3  }
0x34: {  	[smem:$0x3FB9] =	sst s10  }
0x35: {  	s10 =	sld [smem:$0x3FB8];
	_ =	sdelay $0x3  }
0x36: {  	p1 =	seq.s32 s10, $0x1;
	s10 =	sld [smem:$0x3FB9];
	_ =	sdelay $0x3  }
0x37: {  	[smem:$0x3FB9] =	sst s10  }
0x38: {  	s10 =	sld [smem:$0x3FBA]  }
0x39: {  	_ = 	snop;
	(pc) =	sbr.ind lr, $3  }
0x3a: {  	_ = 	snop  }
0x3b: {  	_ = 	snop  }
0x3c: {  	p2 =	seq.s32 s10, $0x1;
	s10 =	sld [smem:$0x3FB9]  }
0x3d: {  	_ =	shalt  }
0x3e: {  	_ =	shalt  }
0x3f: {  	_ =	shalt  }
0x40: {  	_ =	shalt  }
0x41: {  	_ =	shalt  }
0x42: {  	_ =	shalt  }
0x43: {  	_ =	shalt  }
0x44: {  	_ =	shalt  }
0x45: {  	_ =	shalt  }
0x46: {  	_ =	shalt  }
0x47: {  	_ =	shalt  }
0x48: {  	_ =	shalt  }
0x49: {  	_ =	shalt  }
0x4a: {  	_ =	shalt  }
0x4b: {  	_ =	shalt  }
0x4c: {  	_ =	shalt  }
0x4d: {  	_ =	shalt  }
0x4e: {  	_ =	shalt  }
0x4f: {  	_ =	shalt  }
0x50: {  	_ =	shalt  }
0x51: {  	_ =	shalt  }
0x52: {  	_ =	shalt  }
0x53: {  	_ =	shalt  }
0x54: {  	_ =	shalt  }
0x55: {  	_ =	shalt  }
0x56: {  	_ =	shalt  }
0x57: {  	_ =	shalt  }
0x58: {  	_ =	shalt  }
0x59: {  	_ =	shalt  }
0x5a: {  	_ =	shalt  }
0x5b: {  	_ =	shalt  }
0x5c: {  	_ =	shalt  }
0x5d: {  	_ =	shalt  }
0x5e: {  	_ =	shalt  }
0x5f: {  	_ =	shalt  }
0x60: {  	_ =	shalt  }
0x61: {  	_ =	shalt  }
0x62: {  	_ =	shalt  }
0x63: {  	_ =	shalt  }
0x64: {  	_ =	shalt  }
0x65: {  	_ =	shalt  }
0x66: {  	_ =	shalt  }
0x67: {  	_ =	shalt  }
0x68: {  	_ =	shalt  }
0x69: {  	_ =	shalt  }
0x6a: {  	_ =	shalt  }
0x6b: {  	_ =	shalt  }
0x6c: {  	_ =	shalt  }
0x6d: {  	_ =	shalt  }
0x6e: {  	_ =	shalt  }
0x6f: {  	_ =	shalt  }
0x70: {  	_ =	shalt  }
0x71: {  	_ =	shalt  }
0x72: {  	_ =	shalt  }
0x73: {  	_ =	shalt  }
0x74: {  	_ =	shalt  }
0x75: {  	_ =	shalt  }
0x76: {  	_ =	shalt  }
0x77: {  	_ =	shalt  }
0x78: {  	_ =	shalt  }
0x79: {  	_ =	shalt  }
0x7a: {  	_ =	shalt  }
0x7b: {  	_ =	shalt  }
0x7c: {  	_ =	shalt  }
0x7d: {  	_ =	shalt  }
0x7e: {  	_ =	shalt  }
0x7f: {  	_ =	shalt  }
0x80: {  	_ =	shalt  }
0x81: {  	_ =	shalt  }
0x82: {  	_ =	shalt  }
0x83: {  	_ =	shalt  }
0x84: {  	_ =	shalt  }
0x85: {  	_ =	shalt  }
0x86: {  	_ =	shalt  }
0x87: {  	_ =	shalt  }
.Lfunc_end0:
.L_simem_size_0:
called_computation_lowered:
.L_overlay_start_0:
0x88: {  	s2 =	sld [smem:$0x3FD9]  }
0x89: {  	s3 =	sld [smem:$0x3FFE];
	_ =	sdelay $0x1  }
0x8a: {  	s1 =	srdreg.scid  }
0x8b: {  	s0 =	sand.u32 $0x1, s1  }
0x8c: {  	s17 =	sshll.u32 s0, $0xA;
	s2 =	sadd.s32 s3, s2  }
0x8d: {  	s2 =	sadd.s32 s2, s17  }
0x8e: {  	[smem:$0x3FC5] =	sst s2  }
0x8f: {  	_ = 	snop  }
0x90: {  	s2 =	sld [smem:$0x3FD0];
	(tm) =	ssettm $0x1  }
0x91: {  	s18 =	sld [smem:$0x3FFB];
	_ =	sdelay $0x3  }
0x92: {  	_ =	strace s18  }
0x93: {  	s3 =	sld [smem:$0x3FFC];
	_ =	sdelay $0x3  }
0x94: {  	_ =	strace s3  }
0x95: {  	s3 =	sld [smem:$0x3FFD];
	_ =	sdelay $0x3  }
0x96: {  	_ =	strace s3  }
0x97: {  	_ =	strace $0x8FFFFFFF  }
0x98: {  	s19 =	sld [smem:$0x3FDB];
	_ =	sdelay $0x1  }
0x99: {  	s4 =	simm.s32 $_scs_section_size  }
0x9a: {  	s5 =	simm.s32 $_size__tile_overlayer_lowered;
	s6 =	simm.s32 $_tile_overlayer_lowered  }
0x9b: {  	s22 =	simm.s32 $0x1BFF;
	s21 =	sshll.u32 s6, $0x1;
	s3 =	sadd.s32 s4, s19  }
0x9c: {  	s7 =	simm.s32 $0x0;
	s20 =	sshll.u32 s5, $0x1;
	s5 =	sadd.s32 s21, s3  }
0x9d: {  	[timem:s7], [sflag:s22] =	dma.local [hbm:s5], s20  }
0x9e: {  	_ =	swait.ge [sflag:s22], s20  }
0x9f: {  	s4 =	ssub.s32 $0x0, s20;
	[sflag:s22] =	ssyncset.done $0x0  }
0xa0: {  	[sflag:s22] =	ssyncadd.s32 s4;
	_ =	sdelay $0x1  }
0xa1: {  	s23 =	simm.s32 $0x1B8B  }
0xa2: {  	_ =	swait.ge [sflag:s23], $0x1  }
0xa3: {  	[sflag:s23] =	ssyncset.done $0x0  }
0xa4: {  	s25 =	simm.s32 $0x1B8E;
	s24 =	sld [smem:$0x3FFE];
	[sflag:s23] =	ssyncadd.s32 $0xFFFFFFFF  }
0xa5: {  	s26 =	simm.s32 $execute0_lowered;
	[smem:$0x3FD2] =	sst s25  }
0xa6: {  	s5 =	sshll.u32 s26, $0x1;
	_ =	strace $0x80000046;
	[dreg:$0x1] =	wrdreg $0xFFFFFFFF  }
0xa7: {  	s28 =	simm.s32 $_size_execute0_lowered;
	s3 =	sadd.s32 s3, s5;
	[dreg:$0x0] =	wrdreg $0x0  }
0xa8: {  	s5 =	sshll.u32 s28, $0x1;
	[dreg:$0x2] =	wrdreg s3  }
0xa9: {  	[dreg:$0x3] =	wrdreg s5  }
0xaa: {  	[dreg:$0x4] =	wrdreg $0xC0  }
0xab: {  	_ =	task [dreg:s7], $0x5FFFF  }
0xac: {  	[dreg:$0x1] =	wrdreg $0xFFFFFFFF  }
0xad: {  	[dreg:$0x0] =	wrdreg $0x60  }
0xae: {  	[dreg:$0x2] =	wrdreg s24  }
0xaf: {  	[dreg:$0x3] =	wrdreg s2  }
0xb0: {  	[dreg:$0x4] =	wrdreg $0x9  }
0xb1: {  	_ =	task.clear_ibuf [dreg:s7], $0x5FFFF;
	_ =	strace $0x90000046  }
0xb2: {  	s29 =	simm.s32 $0x9;
	_ =	strace $0x80000048  }
0xb3: {  	_ =	swait.ge [sflag:s29], $0x1  }
0xb4: {  	[sflag:s29] =	ssyncadd.s32 $0xFFFFFFFF  }
0xb5: {  	_ =	strace $0x90000048  }
0xb6: {  	_ =	sfence  }
0xb7: {  	s30 =	sld [smem:$0x0];
	_ =	sdelay $0x2  }
0xb8: {  	s31 =	sshll.u32 s1, $0xD;
	s1 =	sshrl.u32 s1, $0x2  }
0xb9: {  	s3 =	sand.u32 $0x4000, s31;
	s1 =	sadd.s32 s1, s30  }
0xba: {  	s0 =	sor.u32 s3, s0;
	s1 =	sshll.u32 s1, $0x11  }
0xbb: {  	s0 =	sor.u32 s1, s0  }
0xbc: {  	s0 =	sadd.s32 $0x8F2B, s0  }
0xbd: {  	[sflag:s0] =	ssyncadd.remote.s32 $0x1  }
0xbe: {  	_ =	sfence.sel $0xFFFF  }
0xbf: {  	[dreg:$0x0] =	wrdreg $0xFFFFFFFF;
	(pc) =	sbr.abs _section_cstart, $3  }
0xc0: {  	[dreg:$0x1] =	wrdreg $0xFFFFFFFF  }
0xc1: {  	_ =	task.clear_ibuf [dreg:s7], $0x2FFFF;
	_ =	strace $0x9FFFFFFF  }
0xc2: {  	(tm) =	ssettm $0x7FFFFFFF  }
0xc3: {  	_ =	shalt  }
tec
execute0_lowered:
.L_overlay_start_1:
0x0: {  	(tag) =	ssettag $0x1  }
0x1: {  	s1 =	rddreg [dreg:$0x0]  }
0x2: {  	s2 =	rddreg [dreg:$0x1]  }
0x3: {  	s0 =	rddreg [dreg:$0x2];
	_ =	strace $0x80000047;
	v0 =	vimm.f32 $2.000000000e+04  }
0x4: {  	(erf) = vrcp.f32 v0  }
0x5: {  	s3 =	srdreg.scid  }
0x6: {  	s4 =	sand.u32 $0x1, s3;
	s3 =	stileid.u32  }
0x7: {  	s5 =	sor.u32 s3, s4  }
0x8: {  	p0 =	sne.s32 s5, $0x0  }
.Ltmp0:
0x9: {  	_ = 	snop;
	(pc) =	sbr.rel @p0 .LBB2_9-.Ltmp0, $2  }
0xa: {  	_ =	sdelay $0x2  }
0xb: {  	v0 =	vpop (erf)  }
0xc: {  	s6 =	ssub.s32 $0x2, s4;
	s4 =	sadd.s32 $0x1400, s1;
	v1 =	vlaneseq.u32;
	s5 =	sadd.s32 $0xA00, s1  }
0xd: {  	s8 =	simm.s32 $0x1;
	s9 =	simm.s32 $0x4E80;
	s10 =	simm.s32 $0x9D00;
	v3 =	vmul.u32 $0xFFFFFFFF, v1  }
0xe: {  	v2 =	vimm.s32 $0x0;
	s11 =	simm.s32 $0x13A00;
	s12 =	simm.s32 $0x18A00;
	s7 =	sshrl.u32 s6, $0x1  }
0xf: {  	v4 =	vimm.s32 $0x1;
	v5 =	vimm.f32 $0.0e+00;
	s13 =	simm.s32 $0x0;
	s6 =	ssub.s32 s6, s7;
	s7 =	simm.s32 $0x0;
	v3 =	vadd.s32 $0xF, v3  }
.LBB2_2:
0x10: {  	[tilespmem:s7], [sflag:$0x1] =	stream.linear.gather [hbm4b:s4+s7], $0x4E80, $0x38;
	[tilespmem:$0x18A80] =	vst v63  }
0x11: {  	_ =	swait.ge [sflag:s8], $0x4E80  }
0x12: {  	[sflag:s8] =	ssyncset.done $0x0  }
0x13: {  	[sflag:s8] =	ssyncadd.s32 $0xFFFFB180  }
0x14: {  	[tilespmem:s9], [sflag:$0x1] =	stream.linear.gather [hbm4b:s1+s7], $0x4E80, $0x38;
	[tilespmem:$0x18A80] =	vst v63  }
0x15: {  	_ =	swait.ge [sflag:s8], $0x4E80  }
0x16: {  	[sflag:s8] =	ssyncset.done $0x0  }
0x17: {  	[sflag:s8] =	ssyncadd.s32 $0xFFFFB180  }
0x18: {  	[tilespmem:s10], [sflag:$0x1] =	stream.linear.gather [hbm4b:s5+s7], $0x4E80, $0x38;
	[tilespmem:$0x18A80] =	vst v63  }
0x19: {  	_ =	swait.ge [sflag:s8], $0x4E80  }
0x1a: {  	[sflag:s8] =	ssyncset.done $0x0  }
0x1b: {  	s14 =	simm.s32 $0x40;
	s15 =	simm.s32 $0x0;
	[sflag:s8] =	ssyncadd.s32 $0xFFFFB180  }
.LBB2_3:
0x1c: {  	p0 =	sne.s32 s14, $0x13FC0;
	[tilespmem:s15+$0x13A00] =	vst v2;
	s15 =	smov.u32 s14;
	s14 =	sadd.s32 $0x40, s14  }
.Ltmp1:
0x1d: {  	(pc) =	sbr.rel @p0 .LBB2_3-.Ltmp1, $2  }
0x1e: {  	_ =	sdelay $0x2  }
0x1f: {  	s15 =	sshra.s32 s15, $0x2  }
0x20: {  	[tilespmem:s15+$0x13A00] =	vst v2;
	s14 =	simm.s32 $0x0;
	s16 =	simm.s32 $0x0;
	s15 =	simm.s32 $0x40  }
.LBB2_5:
0x21: {  	p0 =	sne.s32 s15, $0x139C0;
	v6 =	vld [tilespmem:s16+$0x9D00]  }
0x22: {  	v7 =	vld [tilespmem:s16+$0x0]  }
0x23: {  	v8 =	vld [tilespmem:s16+$0x4E80];
	_ =	sdelay $0x1  }
.Ltmp2:
0x24: {  	(pc) =	sbr.rel @p0 .LBB2_5-.Ltmp2, $4  }
0x25: {  	_ = 	snop  }
0x26: {  	vm0 =	vgt.f32 v7, $5.000000000e-01  }
0x27: {  	s17 =	simm.s32 $0xEB80;
	v7 =	vnsel vm0, $0x4E20, v8  }
0x28: {  	s16 =	sshra.s32 s15, $0x2;
	s15 =	sadd.s32 $0x40, s15;
	[tilespmem:v6+s17+$0x0] =	vst.idx.msk $0xffff, v7  }
0x29: {  	v6 =	vld [tilespmem:s16+$0x9D00]  }
0x2a: {  	v7 =	vld [tilespmem:s16+$0x0]  }
0x2b: {  	v8 =	vld [tilespmem:s16+$0x4E80];
	_ =	sdelay $0x3  }
0x2c: {  	vm0 =	vgt.f32 v7, $5.000000000e-01  }
0x2d: {  	v7 =	vnsel vm0, $0x4E20, v8  }
0x2e: {  	[tilespmem:v6+s17+$0x0] =	vst.idx.msk $0xffff, v7  }
0x2f: {  	v6 =	vld [tilespmem:s17+$0x0];
	_ =	sdelay $0x4  }
0x30: {  	v7 =	vperm.xlane v6, v3;
	_ =	sdelay $0x1  }
0x31: {  	(xrf1) =	vunique.msk.u32 $0xffff, v7;
	_ =	sdelay $0xc  }
0x32: {  	v7 =	vld.idx.msk [tilespmem:v6+s11+$0x0], $0xffff  }
0x33: {  	_, v8, vm0 =	vpop (xrf1)  }
0x34: {  	v8 =	vsel vm0, $0x1, v2  }
0x35: {  	v8 =	vperm.xlane v8, v3;
	_ =	sdelay $0x1  }
0x36: {  	vm14 =	veq.s32 v7, $0x0;
	vm1 =	veq.s32 v8, $0x1  }
0x37: {  	vm2 =	vlt.s32 v6, $0x4E20;
	v7 =	vor.u32 s14, v1;
	vm0 =	vmand vm14, vm1  }
0x38: {  	v7 =	vcvt.s32.f32 v7;
	vm0 =	vmand vm0, vm2  }
0x39: {  	v8 =	vsel vm0, $0x3F800000, v5  }
0x3a: {  	v9 =	vadd.f32 $1.000000000e+00, v7;
	(xrf2) =	vadd.scan.msk.f32 $0xffff, v8;
	_ =	sdelay $0x1  }
0x3b: {  	v9 =	vadd.f32 $9.999999970e-07, v9  }
0x3c: {  	v7 =	vadd.f32 $9.999999970e-07, v7  }
0x3d: {  	s16 =	simm.s32 $0xEB90;
	(erf) = vrcp.f32 v9;
	[tilespmem:v6+s11+$0x0] =	vst.idx.msk vm0, v4  }
0x3e: {  	(erf) = vrcp.f32 v7;
	v7 =	vld [tilespmem:s16+$0x0];
	_ =	sdelay $0x4  }
0x3f: {  	v6 =	vimm.f32 $0.0e+00;
	v9, _, _ =	vpop (xrf2);
	v11 =	vperm.xlane v7, v3  }
0x40: {  	v9 =	vadd.f32 v9, v6  }
0x41: {  	(xrf1) =	vunique.msk.u32 $0xffff, v11  }
0x42: {  	v10 =	vpop (erf);
	(xrf0) =	vmax.scan.msk.f32 $0xffff, v9;
	v8 =	vsub.f32 v9, v8  }
0x43: {  	v12 =	vpop (erf)  }
0x44: {  	v13 =	vmov s14;
	v10 =	vmul.f32 v9, v10;
	v12 =	vmul.f32 v8, v12  }
0x45: {  	vm15 =	veq.s32 v13, v1;
	v9 =	vmul.f32 v9, v0;
	v8 =	vmul.f32 v8, v0  }
0x46: {  	v12 =	vsel vm15, $0x3F800000, v12  }
0x47: {  	v8 =	vsub.f32 v9, v8;
	v9 =	vadd.f32 v12, v10  }
0x48: {  	s15 =	simm.s32 $0x10;
	s17 =	simm.s32 $0x30;
	s14 =	simm.s32 $0x20;
	v10, _, _ =	vpop (xrf0)  }
.LBB2_7:
0x49: {  	p0 =	sne.s32 s17, $0x4E70;
	v10 =	vbroadcast v10, $0xF;
	v8 =	vmul.f32 v9, v8;
	_ =	sdelay $0x1  }
0x4a: {  	v11 =	vmul.f32 $5.000000000e-01, v8;
	_ =	sdelay $0x1  }
0x4b: {  	v9 =	vld.idx.msk [tilespmem:v7+s11+$0x0], $0xffff;
	v6 =	vadd.f32 v11, v6;
	_ =	sdelay $0x1  }
0x4c: {  	_, v8, vm0 =	vpop (xrf1)  }
0x4d: {  	v8 =	vsel vm0, $0x1, v2  }
0x4e: {  	v8 =	vperm.xlane v8, v3;
	_ =	sdelay $0x1  }
0x4f: {  	vm0 =	veq.s32 v9, $0x0;
	vm1 =	veq.s32 v8, $0x1;
	v8 =	vor.u32 s15, v1  }
0x50: {  	vm2 =	vlt.s32 v7, $0x4E20;
	vm0 =	vmand vm0, vm1;
	v8 =	vcvt.s32.f32 v8  }
0x51: {  	vm0 =	vmand vm0, vm2  }
0x52: {  	v9 =	vsel vm0, $0x3F800000, v5;
	v11 =	vadd.f32 $1.000000000e+00, v8  }
0x53: {  	(xrf2) =	vadd.scan.msk.f32 $0xffff, v9  }
0x54: {  	v11 =	vadd.f32 $9.999999970e-07, v11;
	_ =	sdelay $0x1  }
0x55: {  	v8 =	vadd.f32 $9.999999970e-07, v8;
	(erf) = vrcp.f32 v11  }
0x56: {  	s16 =	sadd.s32 $0x10, s16;
	[tilespmem:v7+s11+$0x0] =	vst.idx.msk vm0, v4  }
0x57: {  	v7 =	vld [tilespmem:s16+$0x0];
	(erf) = vrcp.f32 v8;
	_ =	sdelay $0x4  }
0x58: {  	v12 =	vperm.xlane v7, v3;
	v11, _, _ =	vpop (xrf2)  }
0x59: {  	v10 =	vadd.f32 v11, v10  }
0x5a: {  	(xrf1) =	vunique.msk.u32 $0xffff, v12;
	v8 =	vpop (erf)  }
0x5b: {  	v9 =	vsub.f32 v10, v9;
	v11 =	vmul.f32 v10, v0;
	v12 =	vmul.f32 v10, v8;
	(xrf0) =	vmax.scan.msk.f32 $0xffff, v10  }
0x5c: {  	v8 =	vpop (erf)  }
.Ltmp3:
0x5d: {  	v10 =	vmov s15;
	s15 =	smov.u32 s14;
	s14 =	smov.u32 s17;
	v13 =	vmul.f32 v9, v0;
	v9 =	vmul.f32 v9, v8;
	(pc) =	sbr.rel @p0 .LBB2_7-.Ltmp3, $4  }
0x5e: {  	vm0 =	veq.s32 v10, v1  }
0x5f: {  	v8 =	vsub.f32 v11, v13;
	v9 =	vsel vm0, $0x3F800000, v9  }
0x60: {  	v9 =	vadd.f32 v9, v12  }
0x61: {  	s17 =	sadd.s32 $0x10, s17;
	v10, _, _ =	vpop (xrf0)  }
0x62: {  	_ =	sdelay $0x4  }
0x63: {  	v11 =	vld.idx.msk [tilespmem:v7+s11+$0x0], $0xffff  }
0x64: {  	_, v12, vm0 =	vpop (xrf1)  }
0x65: {  	v12 =	vsel vm0, $0x1, v2  }
0x66: {  	v12 =	vperm.xlane v12, v3;
	_ =	sdelay $0x1  }
0x67: {  	vm9 =	veq.s32 v11, $0x0;
	vm1 =	veq.s32 v12, $0x1  }
0x68: {  	vm2 =	vlt.s32 v7, $0x4E20;
	vm0 =	vmand vm9, vm1  }
0x69: {  	vm0 =	vmand vm0, vm2;
	_ =	sdelay $0x5  }
0x6a: {  	s16 =	sadd.s32 $0x10, s16;
	[tilespmem:v7+s11+$0x0] =	vst.idx.msk vm0, v4  }
0x6b: {  	v7 =	vld [tilespmem:s16+$0x0];
	_ =	sdelay $0x4  }
0x6c: {  	v41 =	vperm.xlane v7, v3;
	_ =	sdelay $0x1  }
0x6d: {  	(xrf1) =	vunique.msk.u32 $0xffff, v41;
	_ =	sdelay $0x8  }
0x6e: {  	v42 =	vsel vm0, $0x3F800000, v5  }
0x6f: {  	(xrf2) =	vadd.scan.msk.f32 $0xffff, v42;
	_ =	sdelay $0x2  }
0x70: {  	v13 =	vld.idx.msk [tilespmem:v7+s11+$0x0], $0xffff  }
0x71: {  	_, v14, vm10 =	vpop (xrf1)  }
0x72: {  	v43 =	vor.u32 s15, v1;
	v15 =	vsel vm10, $0x1, v2  }
0x73: {  	v12 =	vcvt.s32.f32 v43;
	v15 =	vperm.xlane v15, v3  }
0x74: {  	v10 =	vbroadcast v10, $0xF  }
0x75: {  	vm11 =	veq.s32 v13, $0x0;
	v14 =	vadd.f32 $1.000000000e+00, v12;
	vm12 =	veq.s32 v15, $0x1  }
0x76: {  	v44 =	vor.u32 s14, v1;
	vm13 =	vlt.s32 v7, $0x4E20;
	vm0 =	vmand vm11, vm12  }
0x77: {  	v45, _, _ =	vpop (xrf2);
	v13 =	vcvt.s32.f32 v44;
	v14 =	vadd.f32 $9.999999970e-07, v14;
	vm0 =	vmand vm0, vm13  }
0x78: {  	v10 =	vadd.f32 v45, v10;
	v46 =	vsel vm0, $0x3F800000, v5  }
0x79: {  	v47 =	vadd.f32 $1.000000000e+00, v13;
	v12 =	vadd.f32 $9.999999970e-07, v12;
	(erf) = vrcp.f32 v14;
	(xrf2) =	vadd.scan.msk.f32 $0xffff, v46;
	_ =	sdelay $0x1  }
0x7a: {  	(xrf0) =	vmax.scan.msk.f32 $0xffff, v10;
	(erf) = vrcp.f32 v12;
	v12 =	vadd.f32 $9.999999970e-07, v47  }
0x7b: {  	v13 =	vadd.f32 $9.999999970e-07, v13  }
0x7c: {  	(erf) = vrcp.f32 v12  }
0x7d: {  	(erf) = vrcp.f32 v13;
	_ =	sdelay $0x2  }
0x7e: {  	v49, _, _ =	vpop (xrf0)  }
0x7f: {  	v13 =	vbroadcast v49, $0xF;
	v48 =	vpop (erf)  }
0x80: {  	v11 =	vsub.f32 v10, v42;
	v16, _, _ =	vpop (xrf2)  }
0x81: {  	v51 =	vmov s15;
	v57 =	vmov s14;
	v50 =	vpop (erf);
	v13 =	vadd.f32 v16, v13  }
0x82: {  	vm14 =	veq.s32 v51, v1;
	v12 =	vmul.f32 v10, v48;
	v14 =	vmul.f32 v11, v50  }
0x83: {  	v10 =	vmul.f32 v10, v0;
	v11 =	vmul.f32 v11, v0;
	v52 =	vpop (erf);
	v15 =	vsub.f32 v13, v46  }
0x84: {  	v8 =	vmul.f32 v9, v8;
	vm15 =	veq.s32 v57, v1;
	v14 =	vsel vm14, $0x3F800000, v14;
	v55 =	vpop (erf)  }
0x85: {  	v53 =	vsub.f32 v10, v11;
	v56 =	vmul.f32 v13, v0;
	v11 =	vmul.f32 v15, v55  }
0x86: {  	v54 =	vadd.f32 v14, v12;
	v58 =	vmul.f32 v13, v52;
	v15 =	vmul.f32 v15, v0  }
0x87: {  	v8 =	vmul.f32 $5.000000000e-01, v8;
	v59 =	vsel vm15, $0x3F800000, v11  }
0x88: {  	v9 =	vmul.f32 v54, v53;
	v60 =	vsub.f32 v56, v15;
	v10 =	vadd.f32 v59, v58;
	_ =	sdelay $0x1  }
0x89: {  	v6 =	vadd.f32 v8, v6;
	v61 =	vmul.f32 $5.000000000e-01, v9;
	v62 =	vmul.f32 v10, v60;
	_ =	sdelay $0x1  }
0x8a: {  	v6 =	vadd.f32 v61, v6;
	v63 =	vmul.f32 $5.000000000e-01, v62;
	_ =	sdelay $0x1  }
0x8b: {  	v6 =	vadd.f32 v63, v6;
	_ =	sdelay $0x1  }
0x8c: {  	(xrf2) =	vadd.scan.msk.f32 $0xffff, v6;
	_ =	sdelay $0x8  }
0x8d: {  	(xrf0) =	vmax.scan.msk.f32 $0xffff, v13  }
0x8e: {  	v6, _, _ =	vpop (xrf2)  }
0x8f: {  	v6 =	vbroadcast v6, $0xF  }
0x90: {  	s13 =	sadd.s32 $0x1, s13  }
0x91: {  	p0 =	sne.s32 s13, s6;
	[tilespmem:v7+s11+$0x0] =	vst.idx.msk vm0, v4  }
.Ltmp4:
0x92: {  	[tilespmem:$0x18A00] =	vst v6;
	(pc) =	sbr.rel @p0 .LBB2_2-.Ltmp4, $4  }
0x93: {  	[hbm4b:s2+s7] =	stream.linear.scatter [tilespmem:s12], [sflag:$0x1], $0x80, $0x38;
	v6, _, _ =	vpop (xrf0);
	[tilespmem:$0x18A80] =	vst v63  }
0x94: {  	_ =	swait.ge [sflag:s8], $0x80  }
0x95: {  	[sflag:s8] =	ssyncset.done $0x0  }
0x96: {  	[sflag:s8] =	ssyncadd.s32 $0xFFFFFF80  }
.LBB2_9:
0x97: {  	_ =	sfence.sel $0x180000  }
0x98: {  	[bflag:$0x0] =	sbarrier.arrive $0xFFFF  }
0x99: {  	p0 =	sne.s32 s3, $0x0;
	_ =	strace $0x90000047  }
0x9a: {  	s0 =	sadd.s32 @!p0 $0x100000, s0;
	[bflag:$0x2] =	sbarrier.arrive $0xFFFF  }
0x9b: {  	[sflag:s0] =	ssyncadd.tile.s32 @!p0 $0x1;
	_ =	shalt  }
.Lfunc_end2:
_tile_overlayer_lowered:
.L_overlay_start_2:
0x9c: {  	(tag) =	ssettag $0x2  }
0x9d: {  	s0 =	rddreg [dreg:$0x0];
	s2 =	stileid.u32  }
0x9e: {  	s1 =	rddreg [dreg:$0x1];
	p0 =	sne.s32 s2, $0x0  }
0x9f: {  	s3 =	rddreg [dreg:$0x2];
	[bflag:$0x3] =	sbarrier.arrive $0xFFFF;
	s2 =	simm.s32 @!p0 $0x1C01  }
0xa0: {  	[timem:s3], [sflag:s2] =	dma.local @!p0 [hbm:s0], s1  }
0xa1: {  	s0 =	simm.s32 @!p0 $0x1  }
0xa2: {  	_ =	swait.ge @!p0 [sflag:s0], s1  }
0xa3: {  	s1 =	ssub.s32 @!p0 $0x0, s1;
	[sflag:s0] =	ssyncset.done @!p0 $0x0  }
0xa4: {  	[sflag:s0] =	ssyncadd.s32 @!p0 s1  }
0xa5: {  	[bflag:$0x3] =	sbarrier.arrive $0xFFFF  }
0xa6: {  	_ =	shalt  }

</sc_bundles>
